<compile_context>
chip_gen: v7x
topology: tpu7x:2x2x1
jax: 0.10.2.dev20260603
libtpu: 0.0.44.dev20260713+nightly
codegen_flags: <defaults>
</compile_context>

<pallas_src>
import functools

import jax
import jax.numpy as jnp
from jax import lax
from jax.experimental import pallas as pl
from jax.experimental.pallas import tpu as pltpu
from jax.experimental.pallas import tpu_sc as plsc

_L = 200
_D = 64

_info = plsc.get_sparse_core_info()
_NC = _info.num_cores
_NS = _info.num_subcores
_NW = _NC * _NS


def _sc_pool(x, table):
    B = x.shape[1]
    bpw = B // _NW
    bpc = bpw * _NS

    mesh = plsc.VectorSubcoreMesh(core_axis_name="c", subcore_axis_name="s")
    nbuf = 10
    nch = _L // nbuf

    @functools.partial(
        pl.kernel,
        mesh=mesh,
        out_type=jax.ShapeDtypeStruct((B, _D), jnp.float32),
        scratch_types=[
            pltpu.VMEM((_L, bpw), jnp.int32),
            pltpu.VMEM((nbuf, bpw, _D), jnp.float32),
            pltpu.VMEM((bpw,), jnp.int32),
            pltpu.VMEM_SHARED((bpc, _D), jnp.float32),
            pltpu.SemaphoreType.DMA((nbuf,)),
            pltpu.SemaphoreType.DMA((nbuf,)),
        ],
        compiler_params=pltpu.CompilerParams(use_tc_tiling_on_sc=False),
    )
    def pool(x_hbm, table_hbm, out_hbm, idx_v, bufs, slot_v, acc_sh, gsem, ssem):
        cid = lax.axis_index("c")
        sid = lax.axis_index("s")
        base = (sid * _NC + cid) * bpw
        sbase = sid * bpw

        zvec = jnp.zeros((16,), jnp.float32)
        for k in range(bpw // 16):
            slot_v[pl.ds(k * 16, 16)] = sbase + k * 16 + lax.iota(jnp.int32, 16)

        def zero_row(i, carry):
            for d in range(_D // 16):
                bufs[0, i, pl.ds(d * 16, 16)] = zvec
            return carry
        lax.fori_loop(0, bpw, zero_row, 0)
        pltpu.sync_copy(bufs.at[0], acc_sh.at[pl.ds(sbase, bpw)])

        pltpu.sync_copy(x_hbm.at[:, pl.ds(base, bpw)], idx_v)

        def gather(l, b):
            return pltpu.async_copy(
                table_hbm.at[idx_v.at[l]], bufs.at[b], gsem.at[b])

        def scatter_add(b):
            return pltpu.async_copy(
                bufs.at[b], acc_sh.at[slot_v], ssem.at[b], add=True)

        for b in range(nbuf):
            gather(b, b)

        def chunk(c, carry):
            l0 = c * nbuf
            for b in range(nbuf):
                pltpu.make_async_copy(
                    table_hbm.at[idx_v.at[l0 + b]], bufs.at[b], gsem.at[b]).wait()
                scatter_add(b)
                pltpu.make_async_copy(
                    bufs.at[b], acc_sh.at[slot_v], ssem.at[b]).wait()
                gather(l0 + b + nbuf, b)
            return carry

        lax.fori_loop(0, nch - 1, chunk, 0)

        l0 = (nch - 1) * nbuf
        for b in range(nbuf):
            pltpu.make_async_copy(
                table_hbm.at[idx_v.at[l0 + b]], bufs.at[b], gsem.at[b]).wait()
            scatter_add(b)
        for b in range(nbuf):
            pltpu.make_async_copy(
                bufs.at[b], acc_sh.at[slot_v], ssem.at[b]).wait()

        pltpu.sync_copy(acc_sh.at[pl.ds(sbase, bpw)], out_hbm.at[pl.ds(base, bpw)])

    return pool(x, table)


def _mlp(sums, W1, b1, w2, b2):
    B = sums.shape[0]

    def body(s_ref, w1_ref, b1_ref, w2_ref, b2_ref, o_ref):
        m = s_ref[...] * (1.0 / _L)
        h = jnp.dot(m, w1_ref[...], preferred_element_type=jnp.float32)
        h = jnp.maximum(h + b1_ref[...][None, :], 0.0)
        z = jnp.sum(h * w2_ref[...][None, :], axis=-1) + b2_ref[0, 0]
        o_ref[...] = (1.0 / (1.0 + jnp.exp(-z)))[:, None]

    return pl.pallas_call(
        body,
        out_shape=jax.ShapeDtypeStruct((B, 1), jnp.float32),
    )(sums, W1, b1, w2, b2)


def kernel(x, table, W1, b1, W2, b2):
    x = x.astype(jnp.int32)
    B = x.shape[1]
    sums = _sc_pool(x, table)
    out = _mlp(sums, W1, b1, W2.reshape(_D), b2.reshape(1, 1))
    return out.reshape(B)

# --- scband reference (transcript-rebuilt; emitter-appended) ---
"""Pipeline reference for scband-baseline-38156489457849 (READ-ONLY COPY).

The authoritative reference and input builder live on the scoring server;
editing this copy changes nothing except your own understanding.
"""

import jax, jax.numpy as jnp
import numpy as np

VOCAB = 1000000
D = 64
L = 200
B = 4096


def setup_inputs(seed: int = 0) -> dict:
    key = jax.random.key(seed)
    k1, k2, k3, k4 = jax.random.split(key, 4)
    x = jax.random.randint(k1, (L, B), 0, VOCAB)
    table = jax.random.normal(k2, (VOCAB, D), dtype=jnp.float32) * 0.02
    W1 = jax.random.normal(k3, (D, 64), dtype=jnp.float32) * 0.1
    b1 = jnp.zeros((64,), dtype=jnp.float32)
    W2 = jax.random.normal(k4, (64, 1), dtype=jnp.float32) * 0.1
    b2 = jnp.zeros((1,), dtype=jnp.float32)
    return {"x": x, "table": table, "W1": W1, "b1": b1, "W2": W2, "b2": b2}


def reference(x, table, W1, b1, W2, b2):
    # nn.Embedding lookup: gather rows of the pretrained table
    emb = jnp.take(table, x, axis=0)          # [L, B, D]
    m = jnp.mean(emb, axis=0, keepdims=True)  # [1, B, D]  (mean over dim 0, keepdim=True)
    h = jax.nn.relu(m @ W1 + b1)              # [1, B, 64]
    out = jax.nn.sigmoid(h @ W2 + b2)         # [1, B, 1]
    return jnp.squeeze(out)                   # [B]

if __name__ == "__main__":
    import jax
    _d = setup_inputs()
    print(jax.jit(kernel)(*tuple(_d.values())))

</pallas_src>

<mosaic_0001>
#map = affine_map<(d0, d1) -> (0, 0)>
module attributes {stable_mosaic.version = 14 : i64} {
  func.func @pool(%arg0: i32, %arg1: i32, %arg2: memref<200x4096xi32, #tpu.memory_space<hbm>>, %arg3: memref<1000000x64xf32, #tpu.memory_space<hbm>>, %arg4: memref<4096x64xf32, #tpu.memory_space<hbm>>, %arg5: memref<200x128xi32, #tpu.memory_space<vmem>>, %arg6: memref<10x128x64xf32, #tpu.memory_space<vmem>>, %arg7: memref<128xi32, #tpu.memory_space<vmem>>, %arg8: memref<2048x64xf32, #tpu.memory_space<vmem_shared>>, %arg9: memref<10x!tpu.dma_semaphore, #tpu.memory_space<semaphore_mem>>, %arg10: memref<10x!tpu.dma_semaphore, #tpu.memory_space<semaphore_mem>>) attributes {dimension_semantics = [#tpu.dimension_semantics<core_parallel>, #tpu.dimension_semantics<subcore_parallel>], iteration_bounds = array<i64: 2, 16>, scalar_prefetch = 0 : i64, scratch_operands = 6 : i64, tpu.core_type = #tpu.core_type<sc_vector_subcore>, window_params = [{transform_indices = #map}, {transform_indices = #map}, {transform_indices = #map}]} {
    %mul3A = arith.constant 2 : i32
    %mul3A_0 = arith.muli %arg1, %mul3A : i32
    %add3A = arith.addi %mul3A_0, %arg0 : i32
    %mul3A_1 = arith.constant 128 : i32
    %mul3A_2 = arith.muli %add3A, %mul3A_1 : i32
    %mul3A_3 = arith.constant 128 : i32
    %mul3A_4 = arith.muli %arg1, %mul3A_3 : i32
    %broadcast_in_dim3A = arith.constant 0.000000e+00 : f32
    %broadcast_in_dim3A_5 = vector.broadcast %broadcast_in_dim3A : f32 to vector<16xf32>
    %add3A_6 = arith.constant 0 : i32
    %add3A_7 = arith.addi %mul3A_4, %add3A_6 : i32
    %iota3A = tpu.iota {dimensions = array<i32: 0>} : vector<16xi32>
    %add3A_8 = vector.broadcast %add3A_7 : i32 to vector<16xi32>
    %add3A_9 = arith.addi %add3A_8, %iota3A : vector<16xi32>
    %swap3A = arith.constant 0 : index
    %swap3A_10 = tpu.vector_load %arg7[%swap3A] {strides = array<i32>} : memref<128xi32, #tpu.memory_space<vmem>>, vector<16xi32>,
    %swap3A_11 = vector.shape_cast %swap3A_10 : vector<16xi32> to vector<16xi32>
    %swap3A_12 = vector.shape_cast %add3A_9 : vector<16xi32> to vector<16xi32>
    tpu.vector_store %arg7[%swap3A], %swap3A_12 {strides = array<i32>} : memref<128xi32, #tpu.memory_space<vmem>>, vector<16xi32>,
    %add3A_13 = arith.constant 16 : i32
    %add3A_14 = arith.addi %mul3A_4, %add3A_13 : i32
    %iota3A_15 = tpu.iota {dimensions = array<i32: 0>} : vector<16xi32>
    %add3A_16 = vector.broadcast %add3A_14 : i32 to vector<16xi32>
    %add3A_17 = arith.addi %add3A_16, %iota3A_15 : vector<16xi32>
    %swap3A_18 = arith.constant 16 : index
    %swap3A_19 = tpu.vector_load %arg7[%swap3A_18] {strides = array<i32>} : memref<128xi32, #tpu.memory_space<vmem>>, vector<16xi32>,
    %swap3A_20 = vector.shape_cast %swap3A_19 : vector<16xi32> to vector<16xi32>
    %swap3A_21 = vector.shape_cast %add3A_17 : vector<16xi32> to vector<16xi32>
    tpu.vector_store %arg7[%swap3A_18], %swap3A_21 {strides = array<i32>} : memref<128xi32, #tpu.memory_space<vmem>>, vector<16xi32>,
    %add3A_22 = arith.constant 32 : i32
    %add3A_23 = arith.addi %mul3A_4, %add3A_22 : i32
    %iota3A_24 = tpu.iota {dimensions = array<i32: 0>} : vector<16xi32>
    %add3A_25 = vector.broadcast %add3A_23 : i32 to vector<16xi32>
    %add3A_26 = arith.addi %add3A_25, %iota3A_24 : vector<16xi32>
    %swap3A_27 = arith.constant 32 : index
    %swap3A_28 = tpu.vector_load %arg7[%swap3A_27] {strides = array<i32>} : memref<128xi32, #tpu.memory_space<vmem>>, vector<16xi32>,
    %swap3A_29 = vector.shape_cast %swap3A_28 : vector<16xi32> to vector<16xi32>
    %swap3A_30 = vector.shape_cast %add3A_26 : vector<16xi32> to vector<16xi32>
    tpu.vector_store %arg7[%swap3A_27], %swap3A_30 {strides = array<i32>} : memref<128xi32, #tpu.memory_space<vmem>>, vector<16xi32>,
    %add3A_31 = arith.constant 48 : i32
    %add3A_32 = arith.addi %mul3A_4, %add3A_31 : i32
    %iota3A_33 = tpu.iota {dimensions = array<i32: 0>} : vector<16xi32>
    %add3A_34 = vector.broadcast %add3A_32 : i32 to vector<16xi32>
    %add3A_35 = arith.addi %add3A_34, %iota3A_33 : vector<16xi32>
    %swap3A_36 = arith.constant 48 : index
    %swap3A_37 = tpu.vector_load %arg7[%swap3A_36] {strides = array<i32>} : memref<128xi32, #tpu.memory_space<vmem>>, vector<16xi32>,
    %swap3A_38 = vector.shape_cast %swap3A_37 : vector<16xi32> to vector<16xi32>
    %swap3A_39 = vector.shape_cast %add3A_35 : vector<16xi32> to vector<16xi32>
    tpu.vector_store %arg7[%swap3A_36], %swap3A_39 {strides = array<i32>} : memref<128xi32, #tpu.memory_space<vmem>>, vector<16xi32>,
    %add3A_40 = arith.constant 64 : i32
    %add3A_41 = arith.addi %mul3A_4, %add3A_40 : i32
    %iota3A_42 = tpu.iota {dimensions = array<i32: 0>} : vector<16xi32>
    %add3A_43 = vector.broadcast %add3A_41 : i32 to vector<16xi32>
    %add3A_44 = arith.addi %add3A_43, %iota3A_42 : vector<16xi32>
    %swap3A_45 = arith.constant 64 : index
    %swap3A_46 = tpu.vector_load %arg7[%swap3A_45] {strides = array<i32>} : memref<128xi32, #tpu.memory_space<vmem>>, vector<16xi32>,
    %swap3A_47 = vector.shape_cast %swap3A_46 : vector<16xi32> to vector<16xi32>
    %swap3A_48 = vector.shape_cast %add3A_44 : vector<16xi32> to vector<16xi32>
    tpu.vector_store %arg7[%swap3A_45], %swap3A_48 {strides = array<i32>} : memref<128xi32, #tpu.memory_space<vmem>>, vector<16xi32>,
    %add3A_49 = arith.constant 80 : i32
    %add3A_50 = arith.addi %mul3A_4, %add3A_49 : i32
    %iota3A_51 = tpu.iota {dimensions = array<i32: 0>} : vector<16xi32>
    %add3A_52 = vector.broadcast %add3A_50 : i32 to vector<16xi32>
    %add3A_53 = arith.addi %add3A_52, %iota3A_51 : vector<16xi32>
    %swap3A_54 = arith.constant 80 : index
    %swap3A_55 = tpu.vector_load %arg7[%swap3A_54] {strides = array<i32>} : memref<128xi32, #tpu.memory_space<vmem>>, vector<16xi32>,
    %swap3A_56 = vector.shape_cast %swap3A_55 : vector<16xi32> to vector<16xi32>
    %swap3A_57 = vector.shape_cast %add3A_53 : vector<16xi32> to vector<16xi32>
    tpu.vector_store %arg7[%swap3A_54], %swap3A_57 {strides = array<i32>} : memref<128xi32, #tpu.memory_space<vmem>>, vector<16xi32>,
    %add3A_58 = arith.constant 96 : i32
    %add3A_59 = arith.addi %mul3A_4, %add3A_58 : i32
    %iota3A_60 = tpu.iota {dimensions = array<i32: 0>} : vector<16xi32>
    %add3A_61 = vector.broadcast %add3A_59 : i32 to vector<16xi32>
    %add3A_62 = arith.addi %add3A_61, %iota3A_60 : vector<16xi32>
    %swap3A_63 = arith.constant 96 : index
    %swap3A_64 = tpu.vector_load %arg7[%swap3A_63] {strides = array<i32>} : memref<128xi32, #tpu.memory_space<vmem>>, vector<16xi32>,
    %swap3A_65 = vector.shape_cast %swap3A_64 : vector<16xi32> to vector<16xi32>
    %swap3A_66 = vector.shape_cast %add3A_62 : vector<16xi32> to vector<16xi32>
    tpu.vector_store %arg7[%swap3A_63], %swap3A_66 {strides = array<i32>} : memref<128xi32, #tpu.memory_space<vmem>>, vector<16xi32>,
    %add3A_67 = arith.constant 112 : i32
    %add3A_68 = arith.addi %mul3A_4, %add3A_67 : i32
    %iota3A_69 = tpu.iota {dimensions = array<i32: 0>} : vector<16xi32>
    %add3A_70 = vector.broadcast %add3A_68 : i32 to vector<16xi32>
    %add3A_71 = arith.addi %add3A_70, %iota3A_69 : vector<16xi32>
    %swap3A_72 = arith.constant 112 : index
    %swap3A_73 = tpu.vector_load %arg7[%swap3A_72] {strides = array<i32>} : memref<128xi32, #tpu.memory_space<vmem>>, vector<16xi32>,
    %swap3A_74 = vector.shape_cast %swap3A_73 : vector<16xi32> to vector<16xi32>
    %swap3A_75 = vector.shape_cast %add3A_71 : vector<16xi32> to vector<16xi32>
    tpu.vector_store %arg7[%swap3A_72], %swap3A_75 {strides = array<i32>} : memref<128xi32, #tpu.memory_space<vmem>>, vector<16xi32>,
    %scan3A = arith.constant 0 : i32
    %scan3A_76 = arith.constant 0 : i32
    %scan3A_77 = arith.constant 128 : i32
    %scan3A_78 = arith.addi %scan3A_76, %scan3A_77 : i32
    %scan3A_79 = arith.constant 1 : i32
    scf.for %scan3A_605 = %scan3A_76 to %scan3A_78 step %scan3A_79  : i32 {
      %swap3A_606 = arith.constant 0 : i32
      %swap3A_607 = arith.index_cast %swap3A_606 : i32 to index
      %swap3A_608 = arith.index_cast %scan3A_605 : i32 to index
      %swap3A_609 = arith.constant 0 : index
      %swap3A_610 = tpu.vector_load %arg6[%swap3A_607, %swap3A_608, %swap3A_609] {strides = array<i32>} : memref<10x128x64xf32, #tpu.memory_space<vmem>>, vector<1x1x16xf32>,
      %swap3A_611 = vector.shape_cast %swap3A_610 : vector<1x1x16xf32> to vector<16xf32>
      %swap3A_612 = vector.shape_cast %broadcast_in_dim3A_5 : vector<16xf32> to vector<1x1x16xf32>
      tpu.vector_store %arg6[%swap3A_607, %swap3A_608, %swap3A_609], %swap3A_612 {strides = array<i32>} : memref<10x128x64xf32, #tpu.memory_space<vmem>>, vector<1x1x16xf32>,
      %swap3A_613 = arith.constant 0 : i32
      %swap3A_614 = arith.index_cast %swap3A_613 : i32 to index
      %swap3A_615 = arith.index_cast %scan3A_605 : i32 to index
      %swap3A_616 = arith.constant 16 : index
      %swap3A_617 = tpu.vector_load %arg6[%swap3A_614, %swap3A_615, %swap3A_616] {strides = array<i32>} : memref<10x128x64xf32, #tpu.memory_space<vmem>>, vector<1x1x16xf32>,
      %swap3A_618 = vector.shape_cast %swap3A_617 : vector<1x1x16xf32> to vector<16xf32>
      %swap3A_619 = vector.shape_cast %broadcast_in_dim3A_5 : vector<16xf32> to vector<1x1x16xf32>
      tpu.vector_store %arg6[%swap3A_614, %swap3A_615, %swap3A_616], %swap3A_619 {strides = array<i32>} : memref<10x128x64xf32, #tpu.memory_space<vmem>>, vector<1x1x16xf32>,
      %swap3A_620 = arith.constant 0 : i32
      %swap3A_621 = arith.index_cast %swap3A_620 : i32 to index
      %swap3A_622 = arith.index_cast %scan3A_605 : i32 to index
      %swap3A_623 = arith.constant 32 : index
      %swap3A_624 = tpu.vector_load %arg6[%swap3A_621, %swap3A_622, %swap3A_623] {strides = array<i32>} : memref<10x128x64xf32, #tpu.memory_space<vmem>>, vector<1x1x16xf32>,
      %swap3A_625 = vector.shape_cast %swap3A_624 : vector<1x1x16xf32> to vector<16xf32>
      %swap3A_626 = vector.shape_cast %broadcast_in_dim3A_5 : vector<16xf32> to vector<1x1x16xf32>
      tpu.vector_store %arg6[%swap3A_621, %swap3A_622, %swap3A_623], %swap3A_626 {strides = array<i32>} : memref<10x128x64xf32, #tpu.memory_space<vmem>>, vector<1x1x16xf32>,
      %swap3A_627 = arith.constant 0 : i32
      %swap3A_628 = arith.index_cast %swap3A_627 : i32 to index
      %swap3A_629 = arith.index_cast %scan3A_605 : i32 to index
      %swap3A_630 = arith.constant 48 : index
      %swap3A_631 = tpu.vector_load %arg6[%swap3A_628, %swap3A_629, %swap3A_630] {strides = array<i32>} : memref<10x128x64xf32, #tpu.memory_space<vmem>>, vector<1x1x16xf32>,
      %swap3A_632 = vector.shape_cast %swap3A_631 : vector<1x1x16xf32> to vector<16xf32>
      %swap3A_633 = vector.shape_cast %broadcast_in_dim3A_5 : vector<16xf32> to vector<1x1x16xf32>
      tpu.vector_store %arg6[%swap3A_628, %swap3A_629, %swap3A_630], %swap3A_633 {strides = array<i32>} : memref<10x128x64xf32, #tpu.memory_space<vmem>>, vector<1x1x16xf32>,
    }
    %scan3A_80 = arith.constant 128 : i32
    %run_scoped3A = arith.constant 0 : i32
    "tpu.region"() ({
      %run_scoped3A_605 = tpu.sem_alloc : memref<!tpu.dma_semaphore, #tpu.memory_space<semaphore_mem>>
      %dma_start3A_606 = arith.constant 0 : i32
      %dma_start3A_607 = arith.constant 0 : i32
      %dma_start3A_608 = tpu.memref_slice %arg6[%run_scoped3A, %dma_start3A_606, %dma_start3A_607] : memref<10x128x64xf32, #tpu.memory_space<vmem>> -> memref<1x128x64xf32, #tpu.memory_space<vmem>>
      %dma_start3A_609 = tpu.memref_squeeze %dma_start3A_608 : memref<1x128x64xf32, #tpu.memory_space<vmem>> -> memref<128x64xf32, #tpu.memory_space<vmem>>
      %dma_start3A_610 = arith.constant 0 : i32
      %dma_start3A_611 = tpu.memref_slice %arg8[%mul3A_4, %dma_start3A_610] : memref<2048x64xf32, #tpu.memory_space<vmem_shared>> -> memref<128x64xf32, #tpu.memory_space<vmem_shared>>
      %dma_start3A_612 = arith.constant 0 : i32
      %dma_start3A_613 = tpu.memref_slice %arg8[%mul3A_4, %dma_start3A_612] : memref<2048x64xf32, #tpu.memory_space<vmem_shared>> -> memref<128x64xf32, #tpu.memory_space<vmem_shared>>
      %dma_start3A_614 = arith.constant 0 : i32
      %dma_start3A_615 = arith.constant 0 : i32
      %dma_start3A_616 = tpu.memref_slice %arg6[%run_scoped3A, %dma_start3A_614, %dma_start3A_615] : memref<10x128x64xf32, #tpu.memory_space<vmem>> -> memref<1x128x64xf32, #tpu.memory_space<vmem>>
      %dma_start3A_617 = tpu.memref_squeeze %dma_start3A_616 : memref<1x128x64xf32, #tpu.memory_space<vmem>> -> memref<128x64xf32, #tpu.memory_space<vmem>>
      tpu.enqueue_dma source(%dma_start3A_617 : memref<128x64xf32, #tpu.memory_space<vmem>>) target(%dma_start3A_613 : memref<128x64xf32, #tpu.memory_space<vmem_shared>>) target_semaphore(%run_scoped3A_605 : memref<!tpu.dma_semaphore, #tpu.memory_space<semaphore_mem>>)
      %dma_wait3A_618 = arith.constant 0 : i32
      %dma_wait3A_619 = arith.constant 0 : i32
      %dma_wait3A_620 = tpu.memref_slice %arg6[%run_scoped3A, %dma_wait3A_618, %dma_wait3A_619] : memref<10x128x64xf32, #tpu.memory_space<vmem>> -> memref<1x128x64xf32, #tpu.memory_space<vmem>>
      %dma_wait3A_621 = tpu.memref_squeeze %dma_wait3A_620 : memref<1x128x64xf32, #tpu.memory_space<vmem>> -> memref<128x64xf32, #tpu.memory_space<vmem>>
      %dma_wait3A_622 = arith.constant 0 : i32
      %dma_wait3A_623 = tpu.memref_slice %arg8[%mul3A_4, %dma_wait3A_622] : memref<2048x64xf32, #tpu.memory_space<vmem_shared>> -> memref<128x64xf32, #tpu.memory_space<vmem_shared>>
      %dma_wait3A_624 = arith.constant 0 : i32
      %dma_wait3A_625 = tpu.memref_slice %arg8[%mul3A_4, %dma_wait3A_624] : memref<2048x64xf32, #tpu.memory_space<vmem_shared>> -> memref<128x64xf32, #tpu.memory_space<vmem_shared>>
      %dma_wait3A_626 = arith.constant 0 : i32
      %dma_wait3A_627 = arith.constant 0 : i32
      %dma_wait3A_628 = tpu.memref_slice %arg6[%run_scoped3A, %dma_wait3A_626, %dma_wait3A_627] : memref<10x128x64xf32, #tpu.memory_space<vmem>> -> memref<1x128x64xf32, #tpu.memory_space<vmem>>
      %dma_wait3A_629 = tpu.memref_squeeze %dma_wait3A_628 : memref<1x128x64xf32, #tpu.memory_space<vmem>> -> memref<128x64xf32, #tpu.memory_space<vmem>>
      tpu.wait_dma2 semaphore(%run_scoped3A_605 : memref<!tpu.dma_semaphore, #tpu.memory_space<semaphore_mem>>) src(%dma_wait3A_629 : memref<128x64xf32, #tpu.memory_space<vmem>>) dst(%dma_wait3A_625 : memref<128x64xf32, #tpu.memory_space<vmem_shared>>)
      tpu.yield
    }) : () -> ()
    "tpu.region"() ({
      %run_scoped3A_605 = tpu.sem_alloc : memref<!tpu.dma_semaphore, #tpu.memory_space<semaphore_mem>>
      %dma_start3A_606 = arith.constant 0 : i32
      %dma_start3A_607 = tpu.memref_slice %arg2[%dma_start3A_606, %mul3A_2] : memref<200x4096xi32, #tpu.memory_space<hbm>> -> memref<200x128xi32, #tpu.memory_space<hbm>>
      %dma_start3A_608 = arith.constant 0 : i32
      %dma_start3A_609 = tpu.memref_slice %arg2[%dma_start3A_608, %mul3A_2] : memref<200x4096xi32, #tpu.memory_space<hbm>> -> memref<200x128xi32, #tpu.memory_space<hbm>>
      tpu.enqueue_dma source(%dma_start3A_609 : memref<200x128xi32, #tpu.memory_space<hbm>>) target(%arg5 : memref<200x128xi32, #tpu.memory_space<vmem>>) target_semaphore(%run_scoped3A_605 : memref<!tpu.dma_semaphore, #tpu.memory_space<semaphore_mem>>)
      %dma_wait3A_610 = arith.constant 0 : i32
      %dma_wait3A_611 = tpu.memref_slice %arg2[%dma_wait3A_610, %mul3A_2] : memref<200x4096xi32, #tpu.memory_space<hbm>> -> memref<200x128xi32, #tpu.memory_space<hbm>>
      %dma_wait3A_612 = arith.constant 0 : i32
      %dma_wait3A_613 = tpu.memref_slice %arg2[%dma_wait3A_612, %mul3A_2] : memref<200x4096xi32, #tpu.memory_space<hbm>> -> memref<200x128xi32, #tpu.memory_space<hbm>>
      tpu.wait_dma2 semaphore(%run_scoped3A_605 : memref<!tpu.dma_semaphore, #tpu.memory_space<semaphore_mem>>) src(%dma_wait3A_613 : memref<200x128xi32, #tpu.memory_space<hbm>>) dst(%arg5 : memref<200x128xi32, #tpu.memory_space<vmem>>)
      tpu.yield
    }) : () -> ()
    %dma_start3A = arith.constant 0 : i32
    %dma_start3A_81 = arith.constant 0 : i32
    %dma_start3A_82 = arith.constant 0 : i32
    %dma_start3A_83 = arith.constant 0 : i32
    %dma_start3A_84 = arith.constant 0 : i32
    %dma_start3A_85 = tpu.memref_slice %arg6[%dma_start3A_81, %dma_start3A_83, %dma_start3A_84] : memref<10x128x64xf32, #tpu.memory_space<vmem>> -> memref<1x128x64xf32, #tpu.memory_space<vmem>>
    %dma_start3A_86 = tpu.memref_squeeze %dma_start3A_85 : memref<1x128x64xf32, #tpu.memory_space<vmem>> -> memref<128x64xf32, #tpu.memory_space<vmem>>
    %dma_start3A_87 = arith.constant 0 : i32
    %dma_start3A_88 = tpu.memref_slice %arg5[%dma_start3A, %dma_start3A_87] : memref<200x128xi32, #tpu.memory_space<vmem>> -> memref<1x128xi32, #tpu.memory_space<vmem>>
    %dma_start3A_89 = tpu.memref_squeeze %dma_start3A_88 : memref<1x128xi32, #tpu.memory_space<vmem>> -> memref<128xi32, #tpu.memory_space<vmem>>
    %dma_start3A_90 = arith.constant 0 : i32
    %dma_start3A_91 = arith.constant 0 : i32
    %dma_start3A_92 = tpu.memref_slice %arg3[%dma_start3A_90, %dma_start3A_91] : memref<1000000x64xf32, #tpu.memory_space<hbm>> -> memref<1000000x64xf32, #tpu.memory_space<hbm>>
    %dma_start3A_93 = tpu.memref_slice %arg9[%dma_start3A_82] : memref<10x!tpu.dma_semaphore, #tpu.memory_space<semaphore_mem>> -> memref<1x!tpu.dma_semaphore, #tpu.memory_space<semaphore_mem>>
    %dma_start3A_94 = tpu.memref_squeeze %dma_start3A_93 : memref<1x!tpu.dma_semaphore, #tpu.memory_space<semaphore_mem>> -> memref<!tpu.dma_semaphore, #tpu.memory_space<semaphore_mem>>
    tpu.enqueue_indirect_dma source(%dma_start3A_92 : memref<1000000x64xf32, #tpu.memory_space<hbm>>) target(%dma_start3A_86 : memref<128x64xf32, #tpu.memory_space<vmem>>) offsets(%dma_start3A_89 : memref<128xi32, #tpu.memory_space<vmem>>) semaphore(%dma_start3A_94 : memref<!tpu.dma_semaphore, #tpu.memory_space<semaphore_mem>>)
    %dma_start3A_95 = arith.constant 1 : i32
    %dma_start3A_96 = arith.constant 1 : i32
    %dma_start3A_97 = arith.constant 1 : i32
    %dma_start3A_98 = arith.constant 0 : i32
    %dma_start3A_99 = arith.constant 0 : i32
    %dma_start3A_100 = tpu.memref_slice %arg6[%dma_start3A_96, %dma_start3A_98, %dma_start3A_99] : memref<10x128x64xf32, #tpu.memory_space<vmem>> -> memref<1x128x64xf32, #tpu.memory_space<vmem>>
    %dma_start3A_101 = tpu.memref_squeeze %dma_start3A_100 : memref<1x128x64xf32, #tpu.memory_space<vmem>> -> memref<128x64xf32, #tpu.memory_space<vmem>>
    %dma_start3A_102 = arith.constant 0 : i32
    %dma_start3A_103 = tpu.memref_slice %arg5[%dma_start3A_95, %dma_start3A_102] : memref<200x128xi32, #tpu.memory_space<vmem>> -> memref<1x128xi32, #tpu.memory_space<vmem>>
    %dma_start3A_104 = tpu.memref_squeeze %dma_start3A_103 : memref<1x128xi32, #tpu.memory_space<vmem>> -> memref<128xi32, #tpu.memory_space<vmem>>
    %dma_start3A_105 = arith.constant 0 : i32
    %dma_start3A_106 = arith.constant 0 : i32
    %dma_start3A_107 = tpu.memref_slice %arg3[%dma_start3A_105, %dma_start3A_106] : memref<1000000x64xf32, #tpu.memory_space<hbm>> -> memref<1000000x64xf32, #tpu.memory_space<hbm>>
    %dma_start3A_108 = tpu.memref_slice %arg9[%dma_start3A_97] : memref<10x!tpu.dma_semaphore, #tpu.memory_space<semaphore_mem>> -> memref<1x!tpu.dma_semaphore, #tpu.memory_space<semaphore_mem>>
    %dma_start3A_109 = tpu.memref_squeeze %dma_start3A_108 : memref<1x!tpu.dma_semaphore, #tpu.memory_space<semaphore_mem>> -> memref<!tpu.dma_semaphore, #tpu.memory_space<semaphore_mem>>
    tpu.enqueue_indirect_dma source(%dma_start3A_107 : memref<1000000x64xf32, #tpu.memory_space<hbm>>) target(%dma_start3A_101 : memref<128x64xf32, #tpu.memory_space<vmem>>) offsets(%dma_start3A_104 : memref<128xi32, #tpu.memory_space<vmem>>) semaphore(%dma_start3A_109 : memref<!tpu.dma_semaphore, #tpu.memory_space<semaphore_mem>>)
    %dma_start3A_110 = arith.constant 2 : i32
    %dma_start3A_111 = arith.constant 2 : i32
    %dma_start3A_112 = arith.constant 2 : i32
    %dma_start3A_113 = arith.constant 0 : i32
    %dma_start3A_114 = arith.constant 0 : i32
    %dma_start3A_115 = tpu.memref_slice %arg6[%dma_start3A_111, %dma_start3A_113, %dma_start3A_114] : memref<10x128x64xf32, #tpu.memory_space<vmem>> -> memref<1x128x64xf32, #tpu.memory_space<vmem>>
    %dma_start3A_116 = tpu.memref_squeeze %dma_start3A_115 : memref<1x128x64xf32, #tpu.memory_space<vmem>> -> memref<128x64xf32, #tpu.memory_space<vmem>>
    %dma_start3A_117 = arith.constant 0 : i32
    %dma_start3A_118 = tpu.memref_slice %arg5[%dma_start3A_110, %dma_start3A_117] : memref<200x128xi32, #tpu.memory_space<vmem>> -> memref<1x128xi32, #tpu.memory_space<vmem>>
    %dma_start3A_119 = tpu.memref_squeeze %dma_start3A_118 : memref<1x128xi32, #tpu.memory_space<vmem>> -> memref<128xi32, #tpu.memory_space<vmem>>
    %dma_start3A_120 = arith.constant 0 : i32
    %dma_start3A_121 = arith.constant 0 : i32
    %dma_start3A_122 = tpu.memref_slice %arg3[%dma_start3A_120, %dma_start3A_121] : memref<1000000x64xf32, #tpu.memory_space<hbm>> -> memref<1000000x64xf32, #tpu.memory_space<hbm>>
    %dma_start3A_123 = tpu.memref_slice %arg9[%dma_start3A_112] : memref<10x!tpu.dma_semaphore, #tpu.memory_space<semaphore_mem>> -> memref<1x!tpu.dma_semaphore, #tpu.memory_space<semaphore_mem>>
    %dma_start3A_124 = tpu.memref_squeeze %dma_start3A_123 : memref<1x!tpu.dma_semaphore, #tpu.memory_space<semaphore_mem>> -> memref<!tpu.dma_semaphore, #tpu.memory_space<semaphore_mem>>
    tpu.enqueue_indirect_dma source(%dma_start3A_122 : memref<1000000x64xf32, #tpu.memory_space<hbm>>) target(%dma_start3A_116 : memref<128x64xf32, #tpu.memory_space<vmem>>) offsets(%dma_start3A_119 : memref<128xi32, #tpu.memory_space<vmem>>) semaphore(%dma_start3A_124 : memref<!tpu.dma_semaphore, #tpu.memory_space<semaphore_mem>>)
    %dma_start3A_125 = arith.constant 3 : i32
    %dma_start3A_126 = arith.constant 3 : i32
    %dma_start3A_127 = arith.constant 3 : i32
    %dma_start3A_128 = arith.constant 0 : i32
    %dma_start3A_129 = arith.constant 0 : i32
    %dma_start3A_130 = tpu.memref_slice %arg6[%dma_start3A_126, %dma_start3A_128, %dma_start3A_129] : memref<10x128x64xf32, #tpu.memory_space<vmem>> -> memref<1x128x64xf32, #tpu.memory_space<vmem>>
    %dma_start3A_131 = tpu.memref_squeeze %dma_start3A_130 : memref<1x128x64xf32, #tpu.memory_space<vmem>> -> memref<128x64xf32, #tpu.memory_space<vmem>>
    %dma_start3A_132 = arith.constant 0 : i32
    %dma_start3A_133 = tpu.memref_slice %arg5[%dma_start3A_125, %dma_start3A_132] : memref<200x128xi32, #tpu.memory_space<vmem>> -> memref<1x128xi32, #tpu.memory_space<vmem>>
    %dma_start3A_134 = tpu.memref_squeeze %dma_start3A_133 : memref<1x128xi32, #tpu.memory_space<vmem>> -> memref<128xi32, #tpu.memory_space<vmem>>
    %dma_start3A_135 = arith.constant 0 : i32
    %dma_start3A_136 = arith.constant 0 : i32
    %dma_start3A_137 = tpu.memref_slice %arg3[%dma_start3A_135, %dma_start3A_136] : memref<1000000x64xf32, #tpu.memory_space<hbm>> -> memref<1000000x64xf32, #tpu.memory_space<hbm>>
    %dma_start3A_138 = tpu.memref_slice %arg9[%dma_start3A_127] : memref<10x!tpu.dma_semaphore, #tpu.memory_space<semaphore_mem>> -> memref<1x!tpu.dma_semaphore, #tpu.memory_space<semaphore_mem>>
    %dma_start3A_139 = tpu.memref_squeeze %dma_start3A_138 : memref<1x!tpu.dma_semaphore, #tpu.memory_space<semaphore_mem>> -> memref<!tpu.dma_semaphore, #tpu.memory_space<semaphore_mem>>
    tpu.enqueue_indirect_dma source(%dma_start3A_137 : memref<1000000x64xf32, #tpu.memory_space<hbm>>) target(%dma_start3A_131 : memref<128x64xf32, #tpu.memory_space<vmem>>) offsets(%dma_start3A_134 : memref<128xi32, #tpu.memory_space<vmem>>) semaphore(%dma_start3A_139 : memref<!tpu.dma_semaphore, #tpu.memory_space<semaphore_mem>>)
    %dma_start3A_140 = arith.constant 4 : i32
    %dma_start3A_141 = arith.constant 4 : i32
    %dma_start3A_142 = arith.constant 4 : i32
    %dma_start3A_143 = arith.constant 0 : i32
    %dma_start3A_144 = arith.constant 0 : i32
    %dma_start3A_145 = tpu.memref_slice %arg6[%dma_start3A_141, %dma_start3A_143, %dma_start3A_144] : memref<10x128x64xf32, #tpu.memory_space<vmem>> -> memref<1x128x64xf32, #tpu.memory_space<vmem>>
    %dma_start3A_146 = tpu.memref_squeeze %dma_start3A_145 : memref<1x128x64xf32, #tpu.memory_space<vmem>> -> memref<128x64xf32, #tpu.memory_space<vmem>>
    %dma_start3A_147 = arith.constant 0 : i32
    %dma_start3A_148 = tpu.memref_slice %arg5[%dma_start3A_140, %dma_start3A_147] : memref<200x128xi32, #tpu.memory_space<vmem>> -> memref<1x128xi32, #tpu.memory_space<vmem>>
    %dma_start3A_149 = tpu.memref_squeeze %dma_start3A_148 : memref<1x128xi32, #tpu.memory_space<vmem>> -> memref<128xi32, #tpu.memory_space<vmem>>
    %dma_start3A_150 = arith.constant 0 : i32
    %dma_start3A_151 = arith.constant 0 : i32
    %dma_start3A_152 = tpu.memref_slice %arg3[%dma_start3A_150, %dma_start3A_151] : memref<1000000x64xf32, #tpu.memory_space<hbm>> -> memref<1000000x64xf32, #tpu.memory_space<hbm>>
    %dma_start3A_153 = tpu.memref_slice %arg9[%dma_start3A_142] : memref<10x!tpu.dma_semaphore, #tpu.memory_space<semaphore_mem>> -> memref<1x!tpu.dma_semaphore, #tpu.memory_space<semaphore_mem>>
    %dma_start3A_154 = tpu.memref_squeeze %dma_start3A_153 : memref<1x!tpu.dma_semaphore, #tpu.memory_space<semaphore_mem>> -> memref<!tpu.dma_semaphore, #tpu.memory_space<semaphore_mem>>
    tpu.enqueue_indirect_dma source(%dma_start3A_152 : memref<1000000x64xf32, #tpu.memory_space<hbm>>) target(%dma_start3A_146 : memref<128x64xf32, #tpu.memory_space<vmem>>) offsets(%dma_start3A_149 : memref<128xi32, #tpu.memory_space<vmem>>) semaphore(%dma_start3A_154 : memref<!tpu.dma_semaphore, #tpu.memory_space<semaphore_mem>>)
    %dma_start3A_155 = arith.constant 5 : i32
    %dma_start3A_156 = arith.constant 5 : i32
    %dma_start3A_157 = arith.constant 5 : i32
    %dma_start3A_158 = arith.constant 0 : i32
    %dma_start3A_159 = arith.constant 0 : i32
    %dma_start3A_160 = tpu.memref_slice %arg6[%dma_start3A_156, %dma_start3A_158, %dma_start3A_159] : memref<10x128x64xf32, #tpu.memory_space<vmem>> -> memref<1x128x64xf32, #tpu.memory_space<vmem>>
    %dma_start3A_161 = tpu.memref_squeeze %dma_start3A_160 : memref<1x128x64xf32, #tpu.memory_space<vmem>> -> memref<128x64xf32, #tpu.memory_space<vmem>>
    %dma_start3A_162 = arith.constant 0 : i32
    %dma_start3A_163 = tpu.memref_slice %arg5[%dma_start3A_155, %dma_start3A_162] : memref<200x128xi32, #tpu.memory_space<vmem>> -> memref<1x128xi32, #tpu.memory_space<vmem>>
    %dma_start3A_164 = tpu.memref_squeeze %dma_start3A_163 : memref<1x128xi32, #tpu.memory_space<vmem>> -> memref<128xi32, #tpu.memory_space<vmem>>
    %dma_start3A_165 = arith.constant 0 : i32
    %dma_start3A_166 = arith.constant 0 : i32
    %dma_start3A_167 = tpu.memref_slice %arg3[%dma_start3A_165, %dma_start3A_166] : memref<1000000x64xf32, #tpu.memory_space<hbm>> -> memref<1000000x64xf32, #tpu.memory_space<hbm>>
    %dma_start3A_168 = tpu.memref_slice %arg9[%dma_start3A_157] : memref<10x!tpu.dma_semaphore, #tpu.memory_space<semaphore_mem>> -> memref<1x!tpu.dma_semaphore, #tpu.memory_space<semaphore_mem>>
    %dma_start3A_169 = tpu.memref_squeeze %dma_start3A_168 : memref<1x!tpu.dma_semaphore, #tpu.memory_space<semaphore_mem>> -> memref<!tpu.dma_semaphore, #tpu.memory_space<semaphore_mem>>
    tpu.enqueue_indirect_dma source(%dma_start3A_167 : memref<1000000x64xf32, #tpu.memory_space<hbm>>) target(%dma_start3A_161 : memref<128x64xf32, #tpu.memory_space<vmem>>) offsets(%dma_start3A_164 : memref<128xi32, #tpu.memory_space<vmem>>) semaphore(%dma_start3A_169 : memref<!tpu.dma_semaphore, #tpu.memory_space<semaphore_mem>>)
    %dma_start3A_170 = arith.constant 6 : i32
    %dma_start3A_171 = arith.constant 6 : i32
    %dma_start3A_172 = arith.constant 6 : i32
    %dma_start3A_173 = arith.constant 0 : i32
    %dma_start3A_174 = arith.constant 0 : i32
    %dma_start3A_175 = tpu.memref_slice %arg6[%dma_start3A_171, %dma_start3A_173, %dma_start3A_174] : memref<10x128x64xf32, #tpu.memory_space<vmem>> -> memref<1x128x64xf32, #tpu.memory_space<vmem>>
    %dma_start3A_176 = tpu.memref_squeeze %dma_start3A_175 : memref<1x128x64xf32, #tpu.memory_space<vmem>> -> memref<128x64xf32, #tpu.memory_space<vmem>>
    %dma_start3A_177 = arith.constant 0 : i32
    %dma_start3A_178 = tpu.memref_slice %arg5[%dma_start3A_170, %dma_start3A_177] : memref<200x128xi32, #tpu.memory_space<vmem>> -> memref<1x128xi32, #tpu.memory_space<vmem>>
    %dma_start3A_179 = tpu.memref_squeeze %dma_start3A_178 : memref<1x128xi32, #tpu.memory_space<vmem>> -> memref<128xi32, #tpu.memory_space<vmem>>
    %dma_start3A_180 = arith.constant 0 : i32
    %dma_start3A_181 = arith.constant 0 : i32
    %dma_start3A_182 = tpu.memref_slice %arg3[%dma_start3A_180, %dma_start3A_181] : memref<1000000x64xf32, #tpu.memory_space<hbm>> -> memref<1000000x64xf32, #tpu.memory_space<hbm>>
    %dma_start3A_183 = tpu.memref_slice %arg9[%dma_start3A_172] : memref<10x!tpu.dma_semaphore, #tpu.memory_space<semaphore_mem>> -> memref<1x!tpu.dma_semaphore, #tpu.memory_space<semaphore_mem>>
    %dma_start3A_184 = tpu.memref_squeeze %dma_start3A_183 : memref<1x!tpu.dma_semaphore, #tpu.memory_space<semaphore_mem>> -> memref<!tpu.dma_semaphore, #tpu.memory_space<semaphore_mem>>
    tpu.enqueue_indirect_dma source(%dma_start3A_182 : memref<1000000x64xf32, #tpu.memory_space<hbm>>) target(%dma_start3A_176 : memref<128x64xf32, #tpu.memory_space<vmem>>) offsets(%dma_start3A_179 : memref<128xi32, #tpu.memory_space<vmem>>) semaphore(%dma_start3A_184 : memref<!tpu.dma_semaphore, #tpu.memory_space<semaphore_mem>>)
    %dma_start3A_185 = arith.constant 7 : i32
    %dma_start3A_186 = arith.constant 7 : i32
    %dma_start3A_187 = arith.constant 7 : i32
    %dma_start3A_188 = arith.constant 0 : i32
    %dma_start3A_189 = arith.constant 0 : i32
    %dma_start3A_190 = tpu.memref_slice %arg6[%dma_start3A_186, %dma_start3A_188, %dma_start3A_189] : memref<10x128x64xf32, #tpu.memory_space<vmem>> -> memref<1x128x64xf32, #tpu.memory_space<vmem>>
    %dma_start3A_191 = tpu.memref_squeeze %dma_start3A_190 : memref<1x128x64xf32, #tpu.memory_space<vmem>> -> memref<128x64xf32, #tpu.memory_space<vmem>>
    %dma_start3A_192 = arith.constant 0 : i32
    %dma_start3A_193 = tpu.memref_slice %arg5[%dma_start3A_185, %dma_start3A_192] : memref<200x128xi32, #tpu.memory_space<vmem>> -> memref<1x128xi32, #tpu.memory_space<vmem>>
    %dma_start3A_194 = tpu.memref_squeeze %dma_start3A_193 : memref<1x128xi32, #tpu.memory_space<vmem>> -> memref<128xi32, #tpu.memory_space<vmem>>
    %dma_start3A_195 = arith.constant 0 : i32
    %dma_start3A_196 = arith.constant 0 : i32
    %dma_start3A_197 = tpu.memref_slice %arg3[%dma_start3A_195, %dma_start3A_196] : memref<1000000x64xf32, #tpu.memory_space<hbm>> -> memref<1000000x64xf32, #tpu.memory_space<hbm>>
    %dma_start3A_198 = tpu.memref_slice %arg9[%dma_start3A_187] : memref<10x!tpu.dma_semaphore, #tpu.memory_space<semaphore_mem>> -> memref<1x!tpu.dma_semaphore, #tpu.memory_space<semaphore_mem>>
    %dma_start3A_199 = tpu.memref_squeeze %dma_start3A_198 : memref<1x!tpu.dma_semaphore, #tpu.memory_space<semaphore_mem>> -> memref<!tpu.dma_semaphore, #tpu.memory_space<semaphore_mem>>
    tpu.enqueue_indirect_dma source(%dma_start3A_197 : memref<1000000x64xf32, #tpu.memory_space<hbm>>) target(%dma_start3A_191 : memref<128x64xf32, #tpu.memory_space<vmem>>) offsets(%dma_start3A_194 : memref<128xi32, #tpu.memory_space<vmem>>) semaphore(%dma_start3A_199 : memref<!tpu.dma_semaphore, #tpu.memory_space<semaphore_mem>>)
    %dma_start3A_200 = arith.constant 8 : i32
    %dma_start3A_201 = arith.constant 8 : i32
    %dma_start3A_202 = arith.constant 8 : i32
    %dma_start3A_203 = arith.constant 0 : i32
    %dma_start3A_204 = arith.constant 0 : i32
    %dma_start3A_205 = tpu.memref_slice %arg6[%dma_start3A_201, %dma_start3A_203, %dma_start3A_204] : memref<10x128x64xf32, #tpu.memory_space<vmem>> -> memref<1x128x64xf32, #tpu.memory_space<vmem>>
    %dma_start3A_206 = tpu.memref_squeeze %dma_start3A_205 : memref<1x128x64xf32, #tpu.memory_space<vmem>> -> memref<128x64xf32, #tpu.memory_space<vmem>>
    %dma_start3A_207 = arith.constant 0 : i32
    %dma_start3A_208 = tpu.memref_slice %arg5[%dma_start3A_200, %dma_start3A_207] : memref<200x128xi32, #tpu.memory_space<vmem>> -> memref<1x128xi32, #tpu.memory_space<vmem>>
    %dma_start3A_209 = tpu.memref_squeeze %dma_start3A_208 : memref<1x128xi32, #tpu.memory_space<vmem>> -> memref<128xi32, #tpu.memory_space<vmem>>
    %dma_start3A_210 = arith.constant 0 : i32
    %dma_start3A_211 = arith.constant 0 : i32
    %dma_start3A_212 = tpu.memref_slice %arg3[%dma_start3A_210, %dma_start3A_211] : memref<1000000x64xf32, #tpu.memory_space<hbm>> -> memref<1000000x64xf32, #tpu.memory_space<hbm>>
    %dma_start3A_213 = tpu.memref_slice %arg9[%dma_start3A_202] : memref<10x!tpu.dma_semaphore, #tpu.memory_space<semaphore_mem>> -> memref<1x!tpu.dma_semaphore, #tpu.memory_space<semaphore_mem>>
    %dma_start3A_214 = tpu.memref_squeeze %dma_start3A_213 : memref<1x!tpu.dma_semaphore, #tpu.memory_space<semaphore_mem>> -> memref<!tpu.dma_semaphore, #tpu.memory_space<semaphore_mem>>
    tpu.enqueue_indirect_dma source(%dma_start3A_212 : memref<1000000x64xf32, #tpu.memory_space<hbm>>) target(%dma_start3A_206 : memref<128x64xf32, #tpu.memory_space<vmem>>) offsets(%dma_start3A_209 : memref<128xi32, #tpu.memory_space<vmem>>) semaphore(%dma_start3A_214 : memref<!tpu.dma_semaphore, #tpu.memory_space<semaphore_mem>>)
    %dma_start3A_215 = arith.constant 9 : i32
    %dma_start3A_216 = arith.constant 9 : i32
    %dma_start3A_217 = arith.constant 9 : i32
    %dma_start3A_218 = arith.constant 0 : i32
    %dma_start3A_219 = arith.constant 0 : i32
    %dma_start3A_220 = tpu.memref_slice %arg6[%dma_start3A_216, %dma_start3A_218, %dma_start3A_219] : memref<10x128x64xf32, #tpu.memory_space<vmem>> -> memref<1x128x64xf32, #tpu.memory_space<vmem>>
    %dma_start3A_221 = tpu.memref_squeeze %dma_start3A_220 : memref<1x128x64xf32, #tpu.memory_space<vmem>> -> memref<128x64xf32, #tpu.memory_space<vmem>>
    %dma_start3A_222 = arith.constant 0 : i32
    %dma_start3A_223 = tpu.memref_slice %arg5[%dma_start3A_215, %dma_start3A_222] : memref<200x128xi32, #tpu.memory_space<vmem>> -> memref<1x128xi32, #tpu.memory_space<vmem>>
    %dma_start3A_224 = tpu.memref_squeeze %dma_start3A_223 : memref<1x128xi32, #tpu.memory_space<vmem>> -> memref<128xi32, #tpu.memory_space<vmem>>
    %dma_start3A_225 = arith.constant 0 : i32
    %dma_start3A_226 = arith.constant 0 : i32
    %dma_start3A_227 = tpu.memref_slice %arg3[%dma_start3A_225, %dma_start3A_226] : memref<1000000x64xf32, #tpu.memory_space<hbm>> -> memref<1000000x64xf32, #tpu.memory_space<hbm>>
    %dma_start3A_228 = tpu.memref_slice %arg9[%dma_start3A_217] : memref<10x!tpu.dma_semaphore, #tpu.memory_space<semaphore_mem>> -> memref<1x!tpu.dma_semaphore, #tpu.memory_space<semaphore_mem>>
    %dma_start3A_229 = tpu.memref_squeeze %dma_start3A_228 : memref<1x!tpu.dma_semaphore, #tpu.memory_space<semaphore_mem>> -> memref<!tpu.dma_semaphore, #tpu.memory_space<semaphore_mem>>
    tpu.enqueue_indirect_dma source(%dma_start3A_227 : memref<1000000x64xf32, #tpu.memory_space<hbm>>) target(%dma_start3A_221 : memref<128x64xf32, #tpu.memory_space<vmem>>) offsets(%dma_start3A_224 : memref<128xi32, #tpu.memory_space<vmem>>) semaphore(%dma_start3A_229 : memref<!tpu.dma_semaphore, #tpu.memory_space<semaphore_mem>>)
    %scan3A_230 = arith.constant 0 : i32
    %scan3A_231 = arith.constant 0 : i32
    %scan3A_232 = arith.constant 19 : i32
    %scan3A_233 = arith.addi %scan3A_231, %scan3A_232 : i32
    %scan3A_234 = arith.constant 1 : i32
    scf.for %scan3A_605 = %scan3A_231 to %scan3A_233 step %scan3A_234  : i32 {
      %mul3A_606 = arith.constant 10 : i32
      %mul3A_607 = arith.muli %scan3A_605, %mul3A_606 : i32
      %add3A_608 = arith.constant 0 : i32
      %add3A_609 = arith.addi %mul3A_607, %add3A_608 : i32
      %dma_wait3A_610 = arith.constant 0 : i32
      %dma_wait3A_611 = arith.constant 0 : i32
      %dma_wait3A_612 = arith.constant 0 : i32
      %dma_wait3A_613 = arith.constant 0 : i32
      %dma_wait3A_614 = tpu.memref_slice %arg6[%dma_wait3A_610, %dma_wait3A_612, %dma_wait3A_613] : memref<10x128x64xf32, #tpu.memory_space<vmem>> -> memref<1x128x64xf32, #tpu.memory_space<vmem>>
      %dma_wait3A_615 = tpu.memref_squeeze %dma_wait3A_614 : memref<1x128x64xf32, #tpu.memory_space<vmem>> -> memref<128x64xf32, #tpu.memory_space<vmem>>
      %dma_wait3A_616 = arith.constant 0 : i32
      %dma_wait3A_617 = tpu.memref_slice %arg5[%add3A_609, %dma_wait3A_616] : memref<200x128xi32, #tpu.memory_space<vmem>> -> memref<1x128xi32, #tpu.memory_space<vmem>>
      %dma_wait3A_618 = tpu.memref_squeeze %dma_wait3A_617 : memref<1x128xi32, #tpu.memory_space<vmem>> -> memref<128xi32, #tpu.memory_space<vmem>>
      %dma_wait3A_619 = arith.constant 0 : i32
      %dma_wait3A_620 = arith.constant 0 : i32
      %dma_wait3A_621 = tpu.memref_slice %arg3[%dma_wait3A_619, %dma_wait3A_620] : memref<1000000x64xf32, #tpu.memory_space<hbm>> -> memref<1000000x64xf32, #tpu.memory_space<hbm>>
      %dma_wait3A_622 = tpu.memref_slice %arg9[%dma_wait3A_611] : memref<10x!tpu.dma_semaphore, #tpu.memory_space<semaphore_mem>> -> memref<1x!tpu.dma_semaphore, #tpu.memory_space<semaphore_mem>>
      %dma_wait3A_623 = tpu.memref_squeeze %dma_wait3A_622 : memref<1x!tpu.dma_semaphore, #tpu.memory_space<semaphore_mem>> -> memref<!tpu.dma_semaphore, #tpu.memory_space<semaphore_mem>>
      tpu.wait_indirect_dma semaphore(%dma_wait3A_623 : memref<!tpu.dma_semaphore, #tpu.memory_space<semaphore_mem>>) src(%dma_wait3A_621 : memref<1000000x64xf32, #tpu.memory_space<hbm>>) dst(%dma_wait3A_615 : memref<128x64xf32, #tpu.memory_space<vmem>>)
      %dma_start3A_624 = arith.constant 0 : i32
      %dma_start3A_625 = arith.constant 0 : i32
      %dma_start3A_626 = arith.constant 0 : i32
      %dma_start3A_627 = arith.constant 0 : i32
      %dma_start3A_628 = tpu.memref_slice %arg6[%dma_start3A_624, %dma_start3A_626, %dma_start3A_627] : memref<10x128x64xf32, #tpu.memory_space<vmem>> -> memref<1x128x64xf32, #tpu.memory_space<vmem>>
      %dma_start3A_629 = tpu.memref_squeeze %dma_start3A_628 : memref<1x128x64xf32, #tpu.memory_space<vmem>> -> memref<128x64xf32, #tpu.memory_space<vmem>>
      %dma_start3A_630 = arith.constant 0 : i32
      %dma_start3A_631 = arith.constant 0 : i32
      %dma_start3A_632 = tpu.memref_slice %arg8[%dma_start3A_630, %dma_start3A_631] : memref<2048x64xf32, #tpu.memory_space<vmem_shared>> -> memref<2048x64xf32, #tpu.memory_space<vmem_shared>>
      %dma_start3A_633 = tpu.memref_slice %arg10[%dma_start3A_625] : memref<10x!tpu.dma_semaphore, #tpu.memory_space<semaphore_mem>> -> memref<1x!tpu.dma_semaphore, #tpu.memory_space<semaphore_mem>>
      %dma_start3A_634 = tpu.memref_squeeze %dma_start3A_633 : memref<1x!tpu.dma_semaphore, #tpu.memory_space<semaphore_mem>> -> memref<!tpu.dma_semaphore, #tpu.memory_space<semaphore_mem>>
      tpu.enqueue_indirect_dma source(%dma_start3A_629 : memref<128x64xf32, #tpu.memory_space<vmem>>) target(%dma_start3A_632 : memref<2048x64xf32, #tpu.memory_space<vmem_shared>>) offsets(%arg7 : memref<128xi32, #tpu.memory_space<vmem>>) semaphore(%dma_start3A_634 : memref<!tpu.dma_semaphore, #tpu.memory_space<semaphore_mem>>) {add = true}
      %dma_wait3A_635 = arith.constant 0 : i32
      %dma_wait3A_636 = arith.constant 0 : i32
      %dma_wait3A_637 = arith.constant 0 : i32
      %dma_wait3A_638 = arith.constant 0 : i32
      %dma_wait3A_639 = tpu.memref_slice %arg6[%dma_wait3A_635, %dma_wait3A_637, %dma_wait3A_638] : memref<10x128x64xf32, #tpu.memory_space<vmem>> -> memref<1x128x64xf32, #tpu.memory_space<vmem>>
      %dma_wait3A_640 = tpu.memref_squeeze %dma_wait3A_639 : memref<1x128x64xf32, #tpu.memory_space<vmem>> -> memref<128x64xf32, #tpu.memory_space<vmem>>
      %dma_wait3A_641 = arith.constant 0 : i32
      %dma_wait3A_642 = arith.constant 0 : i32
      %dma_wait3A_643 = tpu.memref_slice %arg8[%dma_wait3A_641, %dma_wait3A_642] : memref<2048x64xf32, #tpu.memory_space<vmem_shared>> -> memref<2048x64xf32, #tpu.memory_space<vmem_shared>>
      %dma_wait3A_644 = tpu.memref_slice %arg10[%dma_wait3A_636] : memref<10x!tpu.dma_semaphore, #tpu.memory_space<semaphore_mem>> -> memref<1x!tpu.dma_semaphore, #tpu.memory_space<semaphore_mem>>
      %dma_wait3A_645 = tpu.memref_squeeze %dma_wait3A_644 : memref<1x!tpu.dma_semaphore, #tpu.memory_space<semaphore_mem>> -> memref<!tpu.dma_semaphore, #tpu.memory_space<semaphore_mem>>
      tpu.wait_indirect_dma semaphore(%dma_wait3A_645 : memref<!tpu.dma_semaphore, #tpu.memory_space<semaphore_mem>>) src(%dma_wait3A_640 : memref<128x64xf32, #tpu.memory_space<vmem>>) dst(%dma_wait3A_643 : memref<2048x64xf32, #tpu.memory_space<vmem_shared>>)
      %add3A_646 = arith.constant 0 : i32
      %add3A_647 = arith.addi %mul3A_607, %add3A_646 : i32
      %add3A_648 = arith.constant 10 : i32
      %add3A_649 = arith.addi %add3A_647, %add3A_648 : i32
      %dma_start3A_650 = arith.constant 0 : i32
      %dma_start3A_651 = arith.constant 0 : i32
      %dma_start3A_652 = arith.constant 0 : i32
      %dma_start3A_653 = arith.constant 0 : i32
      %dma_start3A_654 = tpu.memref_slice %arg6[%dma_start3A_650, %dma_start3A_652, %dma_start3A_653] : memref<10x128x64xf32, #tpu.memory_space<vmem>> -> memref<1x128x64xf32, #tpu.memory_space<vmem>>
      %dma_start3A_655 = tpu.memref_squeeze %dma_start3A_654 : memref<1x128x64xf32, #tpu.memory_space<vmem>> -> memref<128x64xf32, #tpu.memory_space<vmem>>
      %dma_start3A_656 = arith.constant 0 : i32
      %dma_start3A_657 = tpu.memref_slice %arg5[%add3A_649, %dma_start3A_656] : memref<200x128xi32, #tpu.memory_space<vmem>> -> memref<1x128xi32, #tpu.memory_space<vmem>>
      %dma_start3A_658 = tpu.memref_squeeze %dma_start3A_657 : memref<1x128xi32, #tpu.memory_space<vmem>> -> memref<128xi32, #tpu.memory_space<vmem>>
      %dma_start3A_659 = arith.constant 0 : i32
      %dma_start3A_660 = arith.constant 0 : i32
      %dma_start3A_661 = tpu.memref_slice %arg3[%dma_start3A_659, %dma_start3A_660] : memref<1000000x64xf32, #tpu.memory_space<hbm>> -> memref<1000000x64xf32, #tpu.memory_space<hbm>>
      %dma_start3A_662 = tpu.memref_slice %arg9[%dma_start3A_651] : memref<10x!tpu.dma_semaphore, #tpu.memory_space<semaphore_mem>> -> memref<1x!tpu.dma_semaphore, #tpu.memory_space<semaphore_mem>>
      %dma_start3A_663 = tpu.memref_squeeze %dma_start3A_662 : memref<1x!tpu.dma_semaphore, #tpu.memory_space<semaphore_mem>> -> memref<!tpu.dma_semaphore, #tpu.memory_space<semaphore_mem>>
      tpu.enqueue_indirect_dma source(%dma_start3A_661 : memref<1000000x64xf32, #tpu.memory_space<hbm>>) target(%dma_start3A_655 : memref<128x64xf32, #tpu.memory_space<vmem>>) offsets(%dma_start3A_658 : memref<128xi32, #tpu.memory_space<vmem>>) semaphore(%dma_start3A_663 : memref<!tpu.dma_semaphore, #tpu.memory_space<semaphore_mem>>)
      %add3A_664 = arith.constant 1 : i32
      %add3A_665 = arith.addi %mul3A_607, %add3A_664 : i32
      %dma_wait3A_666 = arith.constant 1 : i32
      %dma_wait3A_667 = arith.constant 1 : i32
      %dma_wait3A_668 = arith.constant 0 : i32
      %dma_wait3A_669 = arith.constant 0 : i32
      %dma_wait3A_670 = tpu.memref_slice %arg6[%dma_wait3A_666, %dma_wait3A_668, %dma_wait3A_669] : memref<10x128x64xf32, #tpu.memory_space<vmem>> -> memref<1x128x64xf32, #tpu.memory_space<vmem>>
      %dma_wait3A_671 = tpu.memref_squeeze %dma_wait3A_670 : memref<1x128x64xf32, #tpu.memory_space<vmem>> -> memref<128x64xf32, #tpu.memory_space<vmem>>
      %dma_wait3A_672 = arith.constant 0 : i32
      %dma_wait3A_673 = tpu.memref_slice %arg5[%add3A_665, %dma_wait3A_672] : memref<200x128xi32, #tpu.memory_space<vmem>> -> memref<1x128xi32, #tpu.memory_space<vmem>>
      %dma_wait3A_674 = tpu.memref_squeeze %dma_wait3A_673 : memref<1x128xi32, #tpu.memory_space<vmem>> -> memref<128xi32, #tpu.memory_space<vmem>>
      %dma_wait3A_675 = arith.constant 0 : i32
      %dma_wait3A_676 = arith.constant 0 : i32
      %dma_wait3A_677 = tpu.memref_slice %arg3[%dma_wait3A_675, %dma_wait3A_676] : memref<1000000x64xf32, #tpu.memory_space<hbm>> -> memref<1000000x64xf32, #tpu.memory_space<hbm>>
      %dma_wait3A_678 = tpu.memref_slice %arg9[%dma_wait3A_667] : memref<10x!tpu.dma_semaphore, #tpu.memory_space<semaphore_mem>> -> memref<1x!tpu.dma_semaphore, #tpu.memory_space<semaphore_mem>>
      %dma_wait3A_679 = tpu.memref_squeeze %dma_wait3A_678 : memref<1x!tpu.dma_semaphore, #tpu.memory_space<semaphore_mem>> -> memref<!tpu.dma_semaphore, #tpu.memory_space<semaphore_mem>>
      tpu.wait_indirect_dma semaphore(%dma_wait3A_679 : memref<!tpu.dma_semaphore, #tpu.memory_space<semaphore_mem>>) src(%dma_wait3A_677 : memref<1000000x64xf32, #tpu.memory_space<hbm>>) dst(%dma_wait3A_671 : memref<128x64xf32, #tpu.memory_space<vmem>>)
      %dma_start3A_680 = arith.constant 1 : i32
      %dma_start3A_681 = arith.constant 1 : i32
      %dma_start3A_682 = arith.constant 0 : i32
      %dma_start3A_683 = arith.constant 0 : i32
      %dma_start3A_684 = tpu.memref_slice %arg6[%dma_start3A_680, %dma_start3A_682, %dma_start3A_683] : memref<10x128x64xf32, #tpu.memory_space<vmem>> -> memref<1x128x64xf32, #tpu.memory_space<vmem>>
      %dma_start3A_685 = tpu.memref_squeeze %dma_start3A_684 : memref<1x128x64xf32, #tpu.memory_space<vmem>> -> memref<128x64xf32, #tpu.memory_space<vmem>>
      %dma_start3A_686 = arith.constant 0 : i32
      %dma_start3A_687 = arith.constant 0 : i32
      %dma_start3A_688 = tpu.memref_slice %arg8[%dma_start3A_686, %dma_start3A_687] : memref<2048x64xf32, #tpu.memory_space<vmem_shared>> -> memref<2048x64xf32, #tpu.memory_space<vmem_shared>>
      %dma_start3A_689 = tpu.memref_slice %arg10[%dma_start3A_681] : memref<10x!tpu.dma_semaphore, #tpu.memory_space<semaphore_mem>> -> memref<1x!tpu.dma_semaphore, #tpu.memory_space<semaphore_mem>>
      %dma_start3A_690 = tpu.memref_squeeze %dma_start3A_689 : memref<1x!tpu.dma_semaphore, #tpu.memory_space<semaphore_mem>> -> memref<!tpu.dma_semaphore, #tpu.memory_space<semaphore_mem>>
      tpu.enqueue_indirect_dma source(%dma_start3A_685 : memref<128x64xf32, #tpu.memory_space<vmem>>) target(%dma_start3A_688 : memref<2048x64xf32, #tpu.memory_space<vmem_shared>>) offsets(%arg7 : memref<128xi32, #tpu.memory_space<vmem>>) semaphore(%dma_start3A_690 : memref<!tpu.dma_semaphore, #tpu.memory_space<semaphore_mem>>) {add = true}
      %dma_wait3A_691 = arith.constant 1 : i32
      %dma_wait3A_692 = arith.constant 1 : i32
      %dma_wait3A_693 = arith.constant 0 : i32
      %dma_wait3A_694 = arith.constant 0 : i32
      %dma_wait3A_695 = tpu.memref_slice %arg6[%dma_wait3A_691, %dma_wait3A_693, %dma_wait3A_694] : memref<10x128x64xf32, #tpu.memory_space<vmem>> -> memref<1x128x64xf32, #tpu.memory_space<vmem>>
      %dma_wait3A_696 = tpu.memref_squeeze %dma_wait3A_695 : memref<1x128x64xf32, #tpu.memory_space<vmem>> -> memref<128x64xf32, #tpu.memory_space<vmem>>
      %dma_wait3A_697 = arith.constant 0 : i32
      %dma_wait3A_698 = arith.constant 0 : i32
      %dma_wait3A_699 = tpu.memref_slice %arg8[%dma_wait3A_697, %dma_wait3A_698] : memref<2048x64xf32, #tpu.memory_space<vmem_shared>> -> memref<2048x64xf32, #tpu.memory_space<vmem_shared>>
      %dma_wait3A_700 = tpu.memref_slice %arg10[%dma_wait3A_692] : memref<10x!tpu.dma_semaphore, #tpu.memory_space<semaphore_mem>> -> memref<1x!tpu.dma_semaphore, #tpu.memory_space<semaphore_mem>>
      %dma_wait3A_701 = tpu.memref_squeeze %dma_wait3A_700 : memref<1x!tpu.dma_semaphore, #tpu.memory_space<semaphore_mem>> -> memref<!tpu.dma_semaphore, #tpu.memory_space<semaphore_mem>>
      tpu.wait_indirect_dma semaphore(%dma_wait3A_701 : memref<!tpu.dma_semaphore, #tpu.memory_space<semaphore_mem>>) src(%dma_wait3A_696 : memref<128x64xf32, #tpu.memory_space<vmem>>) dst(%dma_wait3A_699 : memref<2048x64xf32, #tpu.memory_space<vmem_shared>>)
      %add3A_702 = arith.constant 1 : i32
      %add3A_703 = arith.addi %mul3A_607, %add3A_702 : i32
      %add3A_704 = arith.constant 10 : i32
      %add3A_705 = arith.addi %add3A_703, %add3A_704 : i32
      %dma_start3A_706 = arith.constant 1 : i32
      %dma_start3A_707 = arith.constant 1 : i32
      %dma_start3A_708 = arith.constant 0 : i32
      %dma_start3A_709 = arith.constant 0 : i32
      %dma_start3A_710 = tpu.memref_slice %arg6[%dma_start3A_706, %dma_start3A_708, %dma_start3A_709] : memref<10x128x64xf32, #tpu.memory_space<vmem>> -> memref<1x128x64xf32, #tpu.memory_space<vmem>>
      %dma_start3A_711 = tpu.memref_squeeze %dma_start3A_710 : memref<1x128x64xf32, #tpu.memory_space<vmem>> -> memref<128x64xf32, #tpu.memory_space<vmem>>
      %dma_start3A_712 = arith.constant 0 : i32
      %dma_start3A_713 = tpu.memref_slice %arg5[%add3A_705, %dma_start3A_712] : memref<200x128xi32, #tpu.memory_space<vmem>> -> memref<1x128xi32, #tpu.memory_space<vmem>>
      %dma_start3A_714 = tpu.memref_squeeze %dma_start3A_713 : memref<1x128xi32, #tpu.memory_space<vmem>> -> memref<128xi32, #tpu.memory_space<vmem>>
      %dma_start3A_715 = arith.constant 0 : i32
      %dma_start3A_716 = arith.constant 0 : i32
      %dma_start3A_717 = tpu.memref_slice %arg3[%dma_start3A_715, %dma_start3A_716] : memref<1000000x64xf32, #tpu.memory_space<hbm>> -> memref<1000000x64xf32, #tpu.memory_space<hbm>>
      %dma_start3A_718 = tpu.memref_slice %arg9[%dma_start3A_707] : memref<10x!tpu.dma_semaphore, #tpu.memory_space<semaphore_mem>> -> memref<1x!tpu.dma_semaphore, #tpu.memory_space<semaphore_mem>>
      %dma_start3A_719 = tpu.memref_squeeze %dma_start3A_718 : memref<1x!tpu.dma_semaphore, #tpu.memory_space<semaphore_mem>> -> memref<!tpu.dma_semaphore, #tpu.memory_space<semaphore_mem>>
      tpu.enqueue_indirect_dma source(%dma_start3A_717 : memref<1000000x64xf32, #tpu.memory_space<hbm>>) target(%dma_start3A_711 : memref<128x64xf32, #tpu.memory_space<vmem>>) offsets(%dma_start3A_714 : memref<128xi32, #tpu.memory_space<vmem>>) semaphore(%dma_start3A_719 : memref<!tpu.dma_semaphore, #tpu.memory_space<semaphore_mem>>)
      %add3A_720 = arith.constant 2 : i32
      %add3A_721 = arith.addi %mul3A_607, %add3A_720 : i32
      %dma_wait3A_722 = arith.constant 2 : i32
      %dma_wait3A_723 = arith.constant 2 : i32
      %dma_wait3A_724 = arith.constant 0 : i32
      %dma_wait3A_725 = arith.constant 0 : i32
      %dma_wait3A_726 = tpu.memref_slice %arg6[%dma_wait3A_722, %dma_wait3A_724, %dma_wait3A_725] : memref<10x128x64xf32, #tpu.memory_space<vmem>> -> memref<1x128x64xf32, #tpu.memory_space<vmem>>
      %dma_wait3A_727 = tpu.memref_squeeze %dma_wait3A_726 : memref<1x128x64xf32, #tpu.memory_space<vmem>> -> memref<128x64xf32, #tpu.memory_space<vmem>>
      %dma_wait3A_728 = arith.constant 0 : i32
      %dma_wait3A_729 = tpu.memref_slice %arg5[%add3A_721, %dma_wait3A_728] : memref<200x128xi32, #tpu.memory_space<vmem>> -> memref<1x128xi32, #tpu.memory_space<vmem>>
      %dma_wait3A_730 = tpu.memref_squeeze %dma_wait3A_729 : memref<1x128xi32, #tpu.memory_space<vmem>> -> memref<128xi32, #tpu.memory_space<vmem>>
      %dma_wait3A_731 = arith.constant 0 : i32
      %dma_wait3A_732 = arith.constant 0 : i32
      %dma_wait3A_733 = tpu.memref_slice %arg3[%dma_wait3A_731, %dma_wait3A_732] : memref<1000000x64xf32, #tpu.memory_space<hbm>> -> memref<1000000x64xf32, #tpu.memory_space<hbm>>
      %dma_wait3A_734 = tpu.memref_slice %arg9[%dma_wait3A_723] : memref<10x!tpu.dma_semaphore, #tpu.memory_space<semaphore_mem>> -> memref<1x!tpu.dma_semaphore, #tpu.memory_space<semaphore_mem>>
      %dma_wait3A_735 = tpu.memref_squeeze %dma_wait3A_734 : memref<1x!tpu.dma_semaphore, #tpu.memory_space<semaphore_mem>> -> memref<!tpu.dma_semaphore, #tpu.memory_space<semaphore_mem>>
      tpu.wait_indirect_dma semaphore(%dma_wait3A_735 : memref<!tpu.dma_semaphore, #tpu.memory_space<semaphore_mem>>) src(%dma_wait3A_733 : memref<1000000x64xf32, #tpu.memory_space<hbm>>) dst(%dma_wait3A_727 : memref<128x64xf32, #tpu.memory_space<vmem>>)
      %dma_start3A_736 = arith.constant 2 : i32
      %dma_start3A_737 = arith.constant 2 : i32
      %dma_start3A_738 = arith.constant 0 : i32
      %dma_start3A_739 = arith.constant 0 : i32
      %dma_start3A_740 = tpu.memref_slice %arg6[%dma_start3A_736, %dma_start3A_738, %dma_start3A_739] : memref<10x128x64xf32, #tpu.memory_space<vmem>> -> memref<1x128x64xf32, #tpu.memory_space<vmem>>
      %dma_start3A_741 = tpu.memref_squeeze %dma_start3A_740 : memref<1x128x64xf32, #tpu.memory_space<vmem>> -> memref<128x64xf32, #tpu.memory_space<vmem>>
      %dma_start3A_742 = arith.constant 0 : i32
      %dma_start3A_743 = arith.constant 0 : i32
      %dma_start3A_744 = tpu.memref_slice %arg8[%dma_start3A_742, %dma_start3A_743] : memref<2048x64xf32, #tpu.memory_space<vmem_shared>> -> memref<2048x64xf32, #tpu.memory_space<vmem_shared>>
      %dma_start3A_745 = tpu.memref_slice %arg10[%dma_start3A_737] : memref<10x!tpu.dma_semaphore, #tpu.memory_space<semaphore_mem>> -> memref<1x!tpu.dma_semaphore, #tpu.memory_space<semaphore_mem>>
      %dma_start3A_746 = tpu.memref_squeeze %dma_start3A_745 : memref<1x!tpu.dma_semaphore, #tpu.memory_space<semaphore_mem>> -> memref<!tpu.dma_semaphore, #tpu.memory_space<semaphore_mem>>
      tpu.enqueue_indirect_dma source(%dma_start3A_741 : memref<128x64xf32, #tpu.memory_space<vmem>>) target(%dma_start3A_744 : memref<2048x64xf32, #tpu.memory_space<vmem_shared>>) offsets(%arg7 : memref<128xi32, #tpu.memory_space<vmem>>) semaphore(%dma_start3A_746 : memref<!tpu.dma_semaphore, #tpu.memory_space<semaphore_mem>>) {add = true}
      %dma_wait3A_747 = arith.constant 2 : i32
      %dma_wait3A_748 = arith.constant 2 : i32
      %dma_wait3A_749 = arith.constant 0 : i32
      %dma_wait3A_750 = arith.constant 0 : i32
      %dma_wait3A_751 = tpu.memref_slice %arg6[%dma_wait3A_747, %dma_wait3A_749, %dma_wait3A_750] : memref<10x128x64xf32, #tpu.memory_space<vmem>> -> memref<1x128x64xf32, #tpu.memory_space<vmem>>
      %dma_wait3A_752 = tpu.memref_squeeze %dma_wait3A_751 : memref<1x128x64xf32, #tpu.memory_space<vmem>> -> memref<128x64xf32, #tpu.memory_space<vmem>>
      %dma_wait3A_753 = arith.constant 0 : i32
      %dma_wait3A_754 = arith.constant 0 : i32
      %dma_wait3A_755 = tpu.memref_slice %arg8[%dma_wait3A_753, %dma_wait3A_754] : memref<2048x64xf32, #tpu.memory_space<vmem_shared>> -> memref<2048x64xf32, #tpu.memory_space<vmem_shared>>
      %dma_wait3A_756 = tpu.memref_slice %arg10[%dma_wait3A_748] : memref<10x!tpu.dma_semaphore, #tpu.memory_space<semaphore_mem>> -> memref<1x!tpu.dma_semaphore, #tpu.memory_space<semaphore_mem>>
      %dma_wait3A_757 = tpu.memref_squeeze %dma_wait3A_756 : memref<1x!tpu.dma_semaphore, #tpu.memory_space<semaphore_mem>> -> memref<!tpu.dma_semaphore, #tpu.memory_space<semaphore_mem>>
      tpu.wait_indirect_dma semaphore(%dma_wait3A_757 : memref<!tpu.dma_semaphore, #tpu.memory_space<semaphore_mem>>) src(%dma_wait3A_752 : memref<128x64xf32, #tpu.memory_space<vmem>>) dst(%dma_wait3A_755 : memref<2048x64xf32, #tpu.memory_space<vmem_shared>>)
      %add3A_758 = arith.constant 2 : i32
      %add3A_759 = arith.addi %mul3A_607, %add3A_758 : i32
      %add3A_760 = arith.constant 10 : i32
      %add3A_761 = arith.addi %add3A_759, %add3A_760 : i32
      %dma_start3A_762 = arith.constant 2 : i32
      %dma_start3A_763 = arith.constant 2 : i32
      %dma_start3A_764 = arith.constant 0 : i32
      %dma_start3A_765 = arith.constant 0 : i32
      %dma_start3A_766 = tpu.memref_slice %arg6[%dma_start3A_762, %dma_start3A_764, %dma_start3A_765] : memref<10x128x64xf32, #tpu.memory_space<vmem>> -> memref<1x128x64xf32, #tpu.memory_space<vmem>>
      %dma_start3A_767 = tpu.memref_squeeze %dma_start3A_766 : memref<1x128x64xf32, #tpu.memory_space<vmem>> -> memref<128x64xf32, #tpu.memory_space<vmem>>
      %dma_start3A_768 = arith.constant 0 : i32
      %dma_start3A_769 = tpu.memref_slice %arg5[%add3A_761, %dma_start3A_768] : memref<200x128xi32, #tpu.memory_space<vmem>> -> memref<1x128xi32, #tpu.memory_space<vmem>>
      %dma_start3A_770 = tpu.memref_squeeze %dma_start3A_769 : memref<1x128xi32, #tpu.memory_space<vmem>> -> memref<128xi32, #tpu.memory_space<vmem>>
      %dma_start3A_771 = arith.constant 0 : i32
      %dma_start3A_772 = arith.constant 0 : i32
      %dma_start3A_773 = tpu.memref_slice %arg3[%dma_start3A_771, %dma_start3A_772] : memref<1000000x64xf32, #tpu.memory_space<hbm>> -> memref<1000000x64xf32, #tpu.memory_space<hbm>>
      %dma_start3A_774 = tpu.memref_slice %arg9[%dma_start3A_763] : memref<10x!tpu.dma_semaphore, #tpu.memory_space<semaphore_mem>> -> memref<1x!tpu.dma_semaphore, #tpu.memory_space<semaphore_mem>>
      %dma_start3A_775 = tpu.memref_squeeze %dma_start3A_774 : memref<1x!tpu.dma_semaphore, #tpu.memory_space<semaphore_mem>> -> memref<!tpu.dma_semaphore, #tpu.memory_space<semaphore_mem>>
      tpu.enqueue_indirect_dma source(%dma_start3A_773 : memref<1000000x64xf32, #tpu.memory_space<hbm>>) target(%dma_start3A_767 : memref<128x64xf32, #tpu.memory_space<vmem>>) offsets(%dma_start3A_770 : memref<128xi32, #tpu.memory_space<vmem>>) semaphore(%dma_start3A_775 : memref<!tpu.dma_semaphore, #tpu.memory_space<semaphore_mem>>)
      %add3A_776 = arith.constant 3 : i32
      %add3A_777 = arith.addi %mul3A_607, %add3A_776 : i32
      %dma_wait3A_778 = arith.constant 3 : i32
      %dma_wait3A_779 = arith.constant 3 : i32
      %dma_wait3A_780 = arith.constant 0 : i32
      %dma_wait3A_781 = arith.constant 0 : i32
      %dma_wait3A_782 = tpu.memref_slice %arg6[%dma_wait3A_778, %dma_wait3A_780, %dma_wait3A_781] : memref<10x128x64xf32, #tpu.memory_space<vmem>> -> memref<1x128x64xf32, #tpu.memory_space<vmem>>
      %dma_wait3A_783 = tpu.memref_squeeze %dma_wait3A_782 : memref<1x128x64xf32, #tpu.memory_space<vmem>> -> memref<128x64xf32, #tpu.memory_space<vmem>>
      %dma_wait3A_784 = arith.constant 0 : i32
      %dma_wait3A_785 = tpu.memref_slice %arg5[%add3A_777, %dma_wait3A_784] : memref<200x128xi32, #tpu.memory_space<vmem>> -> memref<1x128xi32, #tpu.memory_space<vmem>>
      %dma_wait3A_786 = tpu.memref_squeeze %dma_wait3A_785 : memref<1x128xi32, #tpu.memory_space<vmem>> -> memref<128xi32, #tpu.memory_space<vmem>>
      %dma_wait3A_787 = arith.constant 0 : i32
      %dma_wait3A_788 = arith.constant 0 : i32
      %dma_wait3A_789 = tpu.memref_slice %arg3[%dma_wait3A_787, %dma_wait3A_788] : memref<1000000x64xf32, #tpu.memory_space<hbm>> -> memref<1000000x64xf32, #tpu.memory_space<hbm>>
      %dma_wait3A_790 = tpu.memref_slice %arg9[%dma_wait3A_779] : memref<10x!tpu.dma_semaphore, #tpu.memory_space<semaphore_mem>> -> memref<1x!tpu.dma_semaphore, #tpu.memory_space<semaphore_mem>>
      %dma_wait3A_791 = tpu.memref_squeeze %dma_wait3A_790 : memref<1x!tpu.dma_semaphore, #tpu.memory_space<semaphore_mem>> -> memref<!tpu.dma_semaphore, #tpu.memory_space<semaphore_mem>>
      tpu.wait_indirect_dma semaphore(%dma_wait3A_791 : memref<!tpu.dma_semaphore, #tpu.memory_space<semaphore_mem>>) src(%dma_wait3A_789 : memref<1000000x64xf32, #tpu.memory_space<hbm>>) dst(%dma_wait3A_783 : memref<128x64xf32, #tpu.memory_space<vmem>>)
      %dma_start3A_792 = arith.constant 3 : i32
      %dma_start3A_793 = arith.constant 3 : i32
      %dma_start3A_794 = arith.constant 0 : i32
      %dma_start3A_795 = arith.constant 0 : i32
      %dma_start3A_796 = tpu.memref_slice %arg6[%dma_start3A_792, %dma_start3A_794, %dma_start3A_795] : memref<10x128x64xf32, #tpu.memory_space<vmem>> -> memref<1x128x64xf32, #tpu.memory_space<vmem>>
      %dma_start3A_797 = tpu.memref_squeeze %dma_start3A_796 : memref<1x128x64xf32, #tpu.memory_space<vmem>> -> memref<128x64xf32, #tpu.memory_space<vmem>>
      %dma_start3A_798 = arith.constant 0 : i32
      %dma_start3A_799 = arith.constant 0 : i32
      %dma_start3A_800 = tpu.memref_slice %arg8[%dma_start3A_798, %dma_start3A_799] : memref<2048x64xf32, #tpu.memory_space<vmem_shared>> -> memref<2048x64xf32, #tpu.memory_space<vmem_shared>>
      %dma_start3A_801 = tpu.memref_slice %arg10[%dma_start3A_793] : memref<10x!tpu.dma_semaphore, #tpu.memory_space<semaphore_mem>> -> memref<1x!tpu.dma_semaphore, #tpu.memory_space<semaphore_mem>>
      %dma_start3A_802 = tpu.memref_squeeze %dma_start3A_801 : memref<1x!tpu.dma_semaphore, #tpu.memory_space<semaphore_mem>> -> memref<!tpu.dma_semaphore, #tpu.memory_space<semaphore_mem>>
      tpu.enqueue_indirect_dma source(%dma_start3A_797 : memref<128x64xf32, #tpu.memory_space<vmem>>) target(%dma_start3A_800 : memref<2048x64xf32, #tpu.memory_space<vmem_shared>>) offsets(%arg7 : memref<128xi32, #tpu.memory_space<vmem>>) semaphore(%dma_start3A_802 : memref<!tpu.dma_semaphore, #tpu.memory_space<semaphore_mem>>) {add = true}
      %dma_wait3A_803 = arith.constant 3 : i32
      %dma_wait3A_804 = arith.constant 3 : i32
      %dma_wait3A_805 = arith.constant 0 : i32
      %dma_wait3A_806 = arith.constant 0 : i32
      %dma_wait3A_807 = tpu.memref_slice %arg6[%dma_wait3A_803, %dma_wait3A_805, %dma_wait3A_806] : memref<10x128x64xf32, #tpu.memory_space<vmem>> -> memref<1x128x64xf32, #tpu.memory_space<vmem>>
      %dma_wait3A_808 = tpu.memref_squeeze %dma_wait3A_807 : memref<1x128x64xf32, #tpu.memory_space<vmem>> -> memref<128x64xf32, #tpu.memory_space<vmem>>
      %dma_wait3A_809 = arith.constant 0 : i32
      %dma_wait3A_810 = arith.constant 0 : i32
      %dma_wait3A_811 = tpu.memref_slice %arg8[%dma_wait3A_809, %dma_wait3A_810] : memref<2048x64xf32, #tpu.memory_space<vmem_shared>> -> memref<2048x64xf32, #tpu.memory_space<vmem_shared>>
      %dma_wait3A_812 = tpu.memref_slice %arg10[%dma_wait3A_804] : memref<10x!tpu.dma_semaphore, #tpu.memory_space<semaphore_mem>> -> memref<1x!tpu.dma_semaphore, #tpu.memory_space<semaphore_mem>>
      %dma_wait3A_813 = tpu.memref_squeeze %dma_wait3A_812 : memref<1x!tpu.dma_semaphore, #tpu.memory_space<semaphore_mem>> -> memref<!tpu.dma_semaphore, #tpu.memory_space<semaphore_mem>>
      tpu.wait_indirect_dma semaphore(%dma_wait3A_813 : memref<!tpu.dma_semaphore, #tpu.memory_space<semaphore_mem>>) src(%dma_wait3A_808 : memref<128x64xf32, #tpu.memory_space<vmem>>) dst(%dma_wait3A_811 : memref<2048x64xf32, #tpu.memory_space<vmem_shared>>)
      %add3A_814 = arith.constant 3 : i32
      %add3A_815 = arith.addi %mul3A_607, %add3A_814 : i32
      %add3A_816 = arith.constant 10 : i32
      %add3A_817 = arith.addi %add3A_815, %add3A_816 : i32
      %dma_start3A_818 = arith.constant 3 : i32
      %dma_start3A_819 = arith.constant 3 : i32
      %dma_start3A_820 = arith.constant 0 : i32
      %dma_start3A_821 = arith.constant 0 : i32
      %dma_start3A_822 = tpu.memref_slice %arg6[%dma_start3A_818, %dma_start3A_820, %dma_start3A_821] : memref<10x128x64xf32, #tpu.memory_space<vmem>> -> memref<1x128x64xf32, #tpu.memory_space<vmem>>
      %dma_start3A_823 = tpu.memref_squeeze %dma_start3A_822 : memref<1x128x64xf32, #tpu.memory_space<vmem>> -> memref<128x64xf32, #tpu.memory_space<vmem>>
      %dma_start3A_824 = arith.constant 0 : i32
      %dma_start3A_825 = tpu.memref_slice %arg5[%add3A_817, %dma_start3A_824] : memref<200x128xi32, #tpu.memory_space<vmem>> -> memref<1x128xi32, #tpu.memory_space<vmem>>
      %dma_start3A_826 = tpu.memref_squeeze %dma_start3A_825 : memref<1x128xi32, #tpu.memory_space<vmem>> -> memref<128xi32, #tpu.memory_space<vmem>>
      %dma_start3A_827 = arith.constant 0 : i32
      %dma_start3A_828 = arith.constant 0 : i32
      %dma_start3A_829 = tpu.memref_slice %arg3[%dma_start3A_827, %dma_start3A_828] : memref<1000000x64xf32, #tpu.memory_space<hbm>> -> memref<1000000x64xf32, #tpu.memory_space<hbm>>
      %dma_start3A_830 = tpu.memref_slice %arg9[%dma_start3A_819] : memref<10x!tpu.dma_semaphore, #tpu.memory_space<semaphore_mem>> -> memref<1x!tpu.dma_semaphore, #tpu.memory_space<semaphore_mem>>
      %dma_start3A_831 = tpu.memref_squeeze %dma_start3A_830 : memref<1x!tpu.dma_semaphore, #tpu.memory_space<semaphore_mem>> -> memref<!tpu.dma_semaphore, #tpu.memory_space<semaphore_mem>>
      tpu.enqueue_indirect_dma source(%dma_start3A_829 : memref<1000000x64xf32, #tpu.memory_space<hbm>>) target(%dma_start3A_823 : memref<128x64xf32, #tpu.memory_space<vmem>>) offsets(%dma_start3A_826 : memref<128xi32, #tpu.memory_space<vmem>>) semaphore(%dma_start3A_831 : memref<!tpu.dma_semaphore, #tpu.memory_space<semaphore_mem>>)
      %add3A_832 = arith.constant 4 : i32
      %add3A_833 = arith.addi %mul3A_607, %add3A_832 : i32
      %dma_wait3A_834 = arith.constant 4 : i32
      %dma_wait3A_835 = arith.constant 4 : i32
      %dma_wait3A_836 = arith.constant 0 : i32
      %dma_wait3A_837 = arith.constant 0 : i32
      %dma_wait3A_838 = tpu.memref_slice %arg6[%dma_wait3A_834, %dma_wait3A_836, %dma_wait3A_837] : memref<10x128x64xf32, #tpu.memory_space<vmem>> -> memref<1x128x64xf32, #tpu.memory_space<vmem>>
      %dma_wait3A_839 = tpu.memref_squeeze %dma_wait3A_838 : memref<1x128x64xf32, #tpu.memory_space<vmem>> -> memref<128x64xf32, #tpu.memory_space<vmem>>
      %dma_wait3A_840 = arith.constant 0 : i32
      %dma_wait3A_841 = tpu.memref_slice %arg5[%add3A_833, %dma_wait3A_840] : memref<200x128xi32, #tpu.memory_space<vmem>> -> memref<1x128xi32, #tpu.memory_space<vmem>>
      %dma_wait3A_842 = tpu.memref_squeeze %dma_wait3A_841 : memref<1x128xi32, #tpu.memory_space<vmem>> -> memref<128xi32, #tpu.memory_space<vmem>>
      %dma_wait3A_843 = arith.constant 0 : i32
      %dma_wait3A_844 = arith.constant 0 : i32
      %dma_wait3A_845 = tpu.memref_slice %arg3[%dma_wait3A_843, %dma_wait3A_844] : memref<1000000x64xf32, #tpu.memory_space<hbm>> -> memref<1000000x64xf32, #tpu.memory_space<hbm>>
      %dma_wait3A_846 = tpu.memref_slice %arg9[%dma_wait3A_835] : memref<10x!tpu.dma_semaphore, #tpu.memory_space<semaphore_mem>> -> memref<1x!tpu.dma_semaphore, #tpu.memory_space<semaphore_mem>>
      %dma_wait3A_847 = tpu.memref_squeeze %dma_wait3A_846 : memref<1x!tpu.dma_semaphore, #tpu.memory_space<semaphore_mem>> -> memref<!tpu.dma_semaphore, #tpu.memory_space<semaphore_mem>>
      tpu.wait_indirect_dma semaphore(%dma_wait3A_847 : memref<!tpu.dma_semaphore, #tpu.memory_space<semaphore_mem>>) src(%dma_wait3A_845 : memref<1000000x64xf32, #tpu.memory_space<hbm>>) dst(%dma_wait3A_839 : memref<128x64xf32, #tpu.memory_space<vmem>>)
      %dma_start3A_848 = arith.constant 4 : i32
      %dma_start3A_849 = arith.constant 4 : i32
      %dma_start3A_850 = arith.constant 0 : i32
      %dma_start3A_851 = arith.constant 0 : i32
      %dma_start3A_852 = tpu.memref_slice %arg6[%dma_start3A_848, %dma_start3A_850, %dma_start3A_851] : memref<10x128x64xf32, #tpu.memory_space<vmem>> -> memref<1x128x64xf32, #tpu.memory_space<vmem>>
      %dma_start3A_853 = tpu.memref_squeeze %dma_start3A_852 : memref<1x128x64xf32, #tpu.memory_space<vmem>> -> memref<128x64xf32, #tpu.memory_space<vmem>>
      %dma_start3A_854 = arith.constant 0 : i32
      %dma_start3A_855 = arith.constant 0 : i32
      %dma_start3A_856 = tpu.memref_slice %arg8[%dma_start3A_854, %dma_start3A_855] : memref<2048x64xf32, #tpu.memory_space<vmem_shared>> -> memref<2048x64xf32, #tpu.memory_space<vmem_shared>>
      %dma_start3A_857 = tpu.memref_slice %arg10[%dma_start3A_849] : memref<10x!tpu.dma_semaphore, #tpu.memory_space<semaphore_mem>> -> memref<1x!tpu.dma_semaphore, #tpu.memory_space<semaphore_mem>>
      %dma_start3A_858 = tpu.memref_squeeze %dma_start3A_857 : memref<1x!tpu.dma_semaphore, #tpu.memory_space<semaphore_mem>> -> memref<!tpu.dma_semaphore, #tpu.memory_space<semaphore_mem>>
      tpu.enqueue_indirect_dma source(%dma_start3A_853 : memref<128x64xf32, #tpu.memory_space<vmem>>) target(%dma_start3A_856 : memref<2048x64xf32, #tpu.memory_space<vmem_shared>>) offsets(%arg7 : memref<128xi32, #tpu.memory_space<vmem>>) semaphore(%dma_start3A_858 : memref<!tpu.dma_semaphore, #tpu.memory_space<semaphore_mem>>) {add = true}
      %dma_wait3A_859 = arith.constant 4 : i32
      %dma_wait3A_860 = arith.constant 4 : i32
      %dma_wait3A_861 = arith.constant 0 : i32
      %dma_wait3A_862 = arith.constant 0 : i32
      %dma_wait3A_863 = tpu.memref_slice %arg6[%dma_wait3A_859, %dma_wait3A_861, %dma_wait3A_862] : memref<10x128x64xf32, #tpu.memory_space<vmem>> -> memref<1x128x64xf32, #tpu.memory_space<vmem>>
      %dma_wait3A_864 = tpu.memref_squeeze %dma_wait3A_863 : memref<1x128x64xf32, #tpu.memory_space<vmem>> -> memref<128x64xf32, #tpu.memory_space<vmem>>
      %dma_wait3A_865 = arith.constant 0 : i32
      %dma_wait3A_866 = arith.constant 0 : i32
      %dma_wait3A_867 = tpu.memref_slice %arg8[%dma_wait3A_865, %dma_wait3A_866] : memref<2048x64xf32, #tpu.memory_space<vmem_shared>> -> memref<2048x64xf32, #tpu.memory_space<vmem_shared>>
      %dma_wait3A_868 = tpu.memref_slice %arg10[%dma_wait3A_860] : memref<10x!tpu.dma_semaphore, #tpu.memory_space<semaphore_mem>> -> memref<1x!tpu.dma_semaphore, #tpu.memory_space<semaphore_mem>>
      %dma_wait3A_869 = tpu.memref_squeeze %dma_wait3A_868 : memref<1x!tpu.dma_semaphore, #tpu.memory_space<semaphore_mem>> -> memref<!tpu.dma_semaphore, #tpu.memory_space<semaphore_mem>>
      tpu.wait_indirect_dma semaphore(%dma_wait3A_869 : memref<!tpu.dma_semaphore, #tpu.memory_space<semaphore_mem>>) src(%dma_wait3A_864 : memref<128x64xf32, #tpu.memory_space<vmem>>) dst(%dma_wait3A_867 : memref<2048x64xf32, #tpu.memory_space<vmem_shared>>)
      %add3A_870 = arith.constant 4 : i32
      %add3A_871 = arith.addi %mul3A_607, %add3A_870 : i32
      %add3A_872 = arith.constant 10 : i32
      %add3A_873 = arith.addi %add3A_871, %add3A_872 : i32
      %dma_start3A_874 = arith.constant 4 : i32
      %dma_start3A_875 = arith.constant 4 : i32
      %dma_start3A_876 = arith.constant 0 : i32
      %dma_start3A_877 = arith.constant 0 : i32
      %dma_start3A_878 = tpu.memref_slice %arg6[%dma_start3A_874, %dma_start3A_876, %dma_start3A_877] : memref<10x128x64xf32, #tpu.memory_space<vmem>> -> memref<1x128x64xf32, #tpu.memory_space<vmem>>
      %dma_start3A_879 = tpu.memref_squeeze %dma_start3A_878 : memref<1x128x64xf32, #tpu.memory_space<vmem>> -> memref<128x64xf32, #tpu.memory_space<vmem>>
      %dma_start3A_880 = arith.constant 0 : i32
      %dma_start3A_881 = tpu.memref_slice %arg5[%add3A_873, %dma_start3A_880] : memref<200x128xi32, #tpu.memory_space<vmem>> -> memref<1x128xi32, #tpu.memory_space<vmem>>
      %dma_start3A_882 = tpu.memref_squeeze %dma_start3A_881 : memref<1x128xi32, #tpu.memory_space<vmem>> -> memref<128xi32, #tpu.memory_space<vmem>>
      %dma_start3A_883 = arith.constant 0 : i32
      %dma_start3A_884 = arith.constant 0 : i32
      %dma_start3A_885 = tpu.memref_slice %arg3[%dma_start3A_883, %dma_start3A_884] : memref<1000000x64xf32, #tpu.memory_space<hbm>> -> memref<1000000x64xf32, #tpu.memory_space<hbm>>
      %dma_start3A_886 = tpu.memref_slice %arg9[%dma_start3A_875] : memref<10x!tpu.dma_semaphore, #tpu.memory_space<semaphore_mem>> -> memref<1x!tpu.dma_semaphore, #tpu.memory_space<semaphore_mem>>
      %dma_start3A_887 = tpu.memref_squeeze %dma_start3A_886 : memref<1x!tpu.dma_semaphore, #tpu.memory_space<semaphore_mem>> -> memref<!tpu.dma_semaphore, #tpu.memory_space<semaphore_mem>>
      tpu.enqueue_indirect_dma source(%dma_start3A_885 : memref<1000000x64xf32, #tpu.memory_space<hbm>>) target(%dma_start3A_879 : memref<128x64xf32, #tpu.memory_space<vmem>>) offsets(%dma_start3A_882 : memref<128xi32, #tpu.memory_space<vmem>>) semaphore(%dma_start3A_887 : memref<!tpu.dma_semaphore, #tpu.memory_space<semaphore_mem>>)
      %add3A_888 = arith.constant 5 : i32
      %add3A_889 = arith.addi %mul3A_607, %add3A_888 : i32
      %dma_wait3A_890 = arith.constant 5 : i32
      %dma_wait3A_891 = arith.constant 5 : i32
      %dma_wait3A_892 = arith.constant 0 : i32
      %dma_wait3A_893 = arith.constant 0 : i32
      %dma_wait3A_894 = tpu.memref_slice %arg6[%dma_wait3A_890, %dma_wait3A_892, %dma_wait3A_893] : memref<10x128x64xf32, #tpu.memory_space<vmem>> -> memref<1x128x64xf32, #tpu.memory_space<vmem>>
      %dma_wait3A_895 = tpu.memref_squeeze %dma_wait3A_894 : memref<1x128x64xf32, #tpu.memory_space<vmem>> -> memref<128x64xf32, #tpu.memory_space<vmem>>
      %dma_wait3A_896 = arith.constant 0 : i32
      %dma_wait3A_897 = tpu.memref_slice %arg5[%add3A_889, %dma_wait3A_896] : memref<200x128xi32, #tpu.memory_space<vmem>> -> memref<1x128xi32, #tpu.memory_space<vmem>>
      %dma_wait3A_898 = tpu.memref_squeeze %dma_wait3A_897 : memref<1x128xi32, #tpu.memory_space<vmem>> -> memref<128xi32, #tpu.memory_space<vmem>>
      %dma_wait3A_899 = arith.constant 0 : i32
      %dma_wait3A_900 = arith.constant 0 : i32
      %dma_wait3A_901 = tpu.memref_slice %arg3[%dma_wait3A_899, %dma_wait3A_900] : memref<1000000x64xf32, #tpu.memory_space<hbm>> -> memref<1000000x64xf32, #tpu.memory_space<hbm>>
      %dma_wait3A_902 = tpu.memref_slice %arg9[%dma_wait3A_891] : memref<10x!tpu.dma_semaphore, #tpu.memory_space<semaphore_mem>> -> memref<1x!tpu.dma_semaphore, #tpu.memory_space<semaphore_mem>>
      %dma_wait3A_903 = tpu.memref_squeeze %dma_wait3A_902 : memref<1x!tpu.dma_semaphore, #tpu.memory_space<semaphore_mem>> -> memref<!tpu.dma_semaphore, #tpu.memory_space<semaphore_mem>>
      tpu.wait_indirect_dma semaphore(%dma_wait3A_903 : memref<!tpu.dma_semaphore, #tpu.memory_space<semaphore_mem>>) src(%dma_wait3A_901 : memref<1000000x64xf32, #tpu.memory_space<hbm>>) dst(%dma_wait3A_895 : memref<128x64xf32, #tpu.memory_space<vmem>>)
      %dma_start3A_904 = arith.constant 5 : i32
      %dma_start3A_905 = arith.constant 5 : i32
      %dma_start3A_906 = arith.constant 0 : i32
      %dma_start3A_907 = arith.constant 0 : i32
      %dma_start3A_908 = tpu.memref_slice %arg6[%dma_start3A_904, %dma_start3A_906, %dma_start3A_907] : memref<10x128x64xf32, #tpu.memory_space<vmem>> -> memref<1x128x64xf32, #tpu.memory_space<vmem>>
      %dma_start3A_909 = tpu.memref_squeeze %dma_start3A_908 : memref<1x128x64xf32, #tpu.memory_space<vmem>> -> memref<128x64xf32, #tpu.memory_space<vmem>>
      %dma_start3A_910 = arith.constant 0 : i32
      %dma_start3A_911 = arith.constant 0 : i32
      %dma_start3A_912 = tpu.memref_slice %arg8[%dma_start3A_910, %dma_start3A_911] : memref<2048x64xf32, #tpu.memory_space<vmem_shared>> -> memref<2048x64xf32, #tpu.memory_space<vmem_shared>>
      %dma_start3A_913 = tpu.memref_slice %arg10[%dma_start3A_905] : memref<10x!tpu.dma_semaphore, #tpu.memory_space<semaphore_mem>> -> memref<1x!tpu.dma_semaphore, #tpu.memory_space<semaphore_mem>>
      %dma_start3A_914 = tpu.memref_squeeze %dma_start3A_913 : memref<1x!tpu.dma_semaphore, #tpu.memory_space<semaphore_mem>> -> memref<!tpu.dma_semaphore, #tpu.memory_space<semaphore_mem>>
      tpu.enqueue_indirect_dma source(%dma_start3A_909 : memref<128x64xf32, #tpu.memory_space<vmem>>) target(%dma_start3A_912 : memref<2048x64xf32, #tpu.memory_space<vmem_shared>>) offsets(%arg7 : memref<128xi32, #tpu.memory_space<vmem>>) semaphore(%dma_start3A_914 : memref<!tpu.dma_semaphore, #tpu.memory_space<semaphore_mem>>) {add = true}
      %dma_wait3A_915 = arith.constant 5 : i32
      %dma_wait3A_916 = arith.constant 5 : i32
      %dma_wait3A_917 = arith.constant 0 : i32
      %dma_wait3A_918 = arith.constant 0 : i32
      %dma_wait3A_919 = tpu.memref_slice %arg6[%dma_wait3A_915, %dma_wait3A_917, %dma_wait3A_918] : memref<10x128x64xf32, #tpu.memory_space<vmem>> -> memref<1x128x64xf32, #tpu.memory_space<vmem>>
      %dma_wait3A_920 = tpu.memref_squeeze %dma_wait3A_919 : memref<1x128x64xf32, #tpu.memory_space<vmem>> -> memref<128x64xf32, #tpu.memory_space<vmem>>
      %dma_wait3A_921 = arith.constant 0 : i32
      %dma_wait3A_922 = arith.constant 0 : i32
      %dma_wait3A_923 = tpu.memref_slice %arg8[%dma_wait3A_921, %dma_wait3A_922] : memref<2048x64xf32, #tpu.memory_space<vmem_shared>> -> memref<2048x64xf32, #tpu.memory_space<vmem_shared>>
      %dma_wait3A_924 = tpu.memref_slice %arg10[%dma_wait3A_916] : memref<10x!tpu.dma_semaphore, #tpu.memory_space<semaphore_mem>> -> memref<1x!tpu.dma_semaphore, #tpu.memory_space<semaphore_mem>>
      %dma_wait3A_925 = tpu.memref_squeeze %dma_wait3A_924 : memref<1x!tpu.dma_semaphore, #tpu.memory_space<semaphore_mem>> -> memref<!tpu.dma_semaphore, #tpu.memory_space<semaphore_mem>>
      tpu.wait_indirect_dma semaphore(%dma_wait3A_925 : memref<!tpu.dma_semaphore, #tpu.memory_space<semaphore_mem>>) src(%dma_wait3A_920 : memref<128x64xf32, #tpu.memory_space<vmem>>) dst(%dma_wait3A_923 : memref<2048x64xf32, #tpu.memory_space<vmem_shared>>)
      %add3A_926 = arith.constant 5 : i32
      %add3A_927 = arith.addi %mul3A_607, %add3A_926 : i32
      %add3A_928 = arith.constant 10 : i32
      %add3A_929 = arith.addi %add3A_927, %add3A_928 : i32
      %dma_start3A_930 = arith.constant 5 : i32
      %dma_start3A_931 = arith.constant 5 : i32
      %dma_start3A_932 = arith.constant 0 : i32
      %dma_start3A_933 = arith.constant 0 : i32
      %dma_start3A_934 = tpu.memref_slice %arg6[%dma_start3A_930, %dma_start3A_932, %dma_start3A_933] : memref<10x128x64xf32, #tpu.memory_space<vmem>> -> memref<1x128x64xf32, #tpu.memory_space<vmem>>
      %dma_start3A_935 = tpu.memref_squeeze %dma_start3A_934 : memref<1x128x64xf32, #tpu.memory_space<vmem>> -> memref<128x64xf32, #tpu.memory_space<vmem>>
      %dma_start3A_936 = arith.constant 0 : i32
      %dma_start3A_937 = tpu.memref_slice %arg5[%add3A_929, %dma_start3A_936] : memref<200x128xi32, #tpu.memory_space<vmem>> -> memref<1x128xi32, #tpu.memory_space<vmem>>
      %dma_start3A_938 = tpu.memref_squeeze %dma_start3A_937 : memref<1x128xi32, #tpu.memory_space<vmem>> -> memref<128xi32, #tpu.memory_space<vmem>>
      %dma_start3A_939 = arith.constant 0 : i32
      %dma_start3A_940 = arith.constant 0 : i32
      %dma_start3A_941 = tpu.memref_slice %arg3[%dma_start3A_939, %dma_start3A_940] : memref<1000000x64xf32, #tpu.memory_space<hbm>> -> memref<1000000x64xf32, #tpu.memory_space<hbm>>
      %dma_start3A_942 = tpu.memref_slice %arg9[%dma_start3A_931] : memref<10x!tpu.dma_semaphore, #tpu.memory_space<semaphore_mem>> -> memref<1x!tpu.dma_semaphore, #tpu.memory_space<semaphore_mem>>
      %dma_start3A_943 = tpu.memref_squeeze %dma_start3A_942 : memref<1x!tpu.dma_semaphore, #tpu.memory_space<semaphore_mem>> -> memref<!tpu.dma_semaphore, #tpu.memory_space<semaphore_mem>>
      tpu.enqueue_indirect_dma source(%dma_start3A_941 : memref<1000000x64xf32, #tpu.memory_space<hbm>>) target(%dma_start3A_935 : memref<128x64xf32, #tpu.memory_space<vmem>>) offsets(%dma_start3A_938 : memref<128xi32, #tpu.memory_space<vmem>>) semaphore(%dma_start3A_943 : memref<!tpu.dma_semaphore, #tpu.memory_space<semaphore_mem>>)
      %add3A_944 = arith.constant 6 : i32
      %add3A_945 = arith.addi %mul3A_607, %add3A_944 : i32
      %dma_wait3A_946 = arith.constant 6 : i32
      %dma_wait3A_947 = arith.constant 6 : i32
      %dma_wait3A_948 = arith.constant 0 : i32
      %dma_wait3A_949 = arith.constant 0 : i32
      %dma_wait3A_950 = tpu.memref_slice %arg6[%dma_wait3A_946, %dma_wait3A_948, %dma_wait3A_949] : memref<10x128x64xf32, #tpu.memory_space<vmem>> -> memref<1x128x64xf32, #tpu.memory_space<vmem>>
      %dma_wait3A_951 = tpu.memref_squeeze %dma_wait3A_950 : memref<1x128x64xf32, #tpu.memory_space<vmem>> -> memref<128x64xf32, #tpu.memory_space<vmem>>
      %dma_wait3A_952 = arith.constant 0 : i32
      %dma_wait3A_953 = tpu.memref_slice %arg5[%add3A_945, %dma_wait3A_952] : memref<200x128xi32, #tpu.memory_space<vmem>> -> memref<1x128xi32, #tpu.memory_space<vmem>>
      %dma_wait3A_954 = tpu.memref_squeeze %dma_wait3A_953 : memref<1x128xi32, #tpu.memory_space<vmem>> -> memref<128xi32, #tpu.memory_space<vmem>>
      %dma_wait3A_955 = arith.constant 0 : i32
      %dma_wait3A_956 = arith.constant 0 : i32
      %dma_wait3A_957 = tpu.memref_slice %arg3[%dma_wait3A_955, %dma_wait3A_956] : memref<1000000x64xf32, #tpu.memory_space<hbm>> -> memref<1000000x64xf32, #tpu.memory_space<hbm>>
      %dma_wait3A_958 = tpu.memref_slice %arg9[%dma_wait3A_947] : memref<10x!tpu.dma_semaphore, #tpu.memory_space<semaphore_mem>> -> memref<1x!tpu.dma_semaphore, #tpu.memory_space<semaphore_mem>>
      %dma_wait3A_959 = tpu.memref_squeeze %dma_wait3A_958 : memref<1x!tpu.dma_semaphore, #tpu.memory_space<semaphore_mem>> -> memref<!tpu.dma_semaphore, #tpu.memory_space<semaphore_mem>>
      tpu.wait_indirect_dma semaphore(%dma_wait3A_959 : memref<!tpu.dma_semaphore, #tpu.memory_space<semaphore_mem>>) src(%dma_wait3A_957 : memref<1000000x64xf32, #tpu.memory_space<hbm>>) dst(%dma_wait3A_951 : memref<128x64xf32, #tpu.memory_space<vmem>>)
      %dma_start3A_960 = arith.constant 6 : i32
      %dma_start3A_961 = arith.constant 6 : i32
      %dma_start3A_962 = arith.constant 0 : i32
      %dma_start3A_963 = arith.constant 0 : i32
      %dma_start3A_964 = tpu.memref_slice %arg6[%dma_start3A_960, %dma_start3A_962, %dma_start3A_963] : memref<10x128x64xf32, #tpu.memory_space<vmem>> -> memref<1x128x64xf32, #tpu.memory_space<vmem>>
      %dma_start3A_965 = tpu.memref_squeeze %dma_start3A_964 : memref<1x128x64xf32, #tpu.memory_space<vmem>> -> memref<128x64xf32, #tpu.memory_space<vmem>>
      %dma_start3A_966 = arith.constant 0 : i32
      %dma_start3A_967 = arith.constant 0 : i32
      %dma_start3A_968 = tpu.memref_slice %arg8[%dma_start3A_966, %dma_start3A_967] : memref<2048x64xf32, #tpu.memory_space<vmem_shared>> -> memref<2048x64xf32, #tpu.memory_space<vmem_shared>>
      %dma_start3A_969 = tpu.memref_slice %arg10[%dma_start3A_961] : memref<10x!tpu.dma_semaphore, #tpu.memory_space<semaphore_mem>> -> memref<1x!tpu.dma_semaphore, #tpu.memory_space<semaphore_mem>>
      %dma_start3A_970 = tpu.memref_squeeze %dma_start3A_969 : memref<1x!tpu.dma_semaphore, #tpu.memory_space<semaphore_mem>> -> memref<!tpu.dma_semaphore, #tpu.memory_space<semaphore_mem>>
      tpu.enqueue_indirect_dma source(%dma_start3A_965 : memref<128x64xf32, #tpu.memory_space<vmem>>) target(%dma_start3A_968 : memref<2048x64xf32, #tpu.memory_space<vmem_shared>>) offsets(%arg7 : memref<128xi32, #tpu.memory_space<vmem>>) semaphore(%dma_start3A_970 : memref<!tpu.dma_semaphore, #tpu.memory_space<semaphore_mem>>) {add = true}
      %dma_wait3A_971 = arith.constant 6 : i32
      %dma_wait3A_972 = arith.constant 6 : i32
      %dma_wait3A_973 = arith.constant 0 : i32
      %dma_wait3A_974 = arith.constant 0 : i32
      %dma_wait3A_975 = tpu.memref_slice %arg6[%dma_wait3A_971, %dma_wait3A_973, %dma_wait3A_974] : memref<10x128x64xf32, #tpu.memory_space<vmem>> -> memref<1x128x64xf32, #tpu.memory_space<vmem>>
      %dma_wait3A_976 = tpu.memref_squeeze %dma_wait3A_975 : memref<1x128x64xf32, #tpu.memory_space<vmem>> -> memref<128x64xf32, #tpu.memory_space<vmem>>
      %dma_wait3A_977 = arith.constant 0 : i32
      %dma_wait3A_978 = arith.constant 0 : i32
      %dma_wait3A_979 = tpu.memref_slice %arg8[%dma_wait3A_977, %dma_wait3A_978] : memref<2048x64xf32, #tpu.memory_space<vmem_shared>> -> memref<2048x64xf32, #tpu.memory_space<vmem_shared>>
      %dma_wait3A_980 = tpu.memref_slice %arg10[%dma_wait3A_972] : memref<10x!tpu.dma_semaphore, #tpu.memory_space<semaphore_mem>> -> memref<1x!tpu.dma_semaphore, #tpu.memory_space<semaphore_mem>>
      %dma_wait3A_981 = tpu.memref_squeeze %dma_wait3A_980 : memref<1x!tpu.dma_semaphore, #tpu.memory_space<semaphore_mem>> -> memref<!tpu.dma_semaphore, #tpu.memory_space<semaphore_mem>>
      tpu.wait_indirect_dma semaphore(%dma_wait3A_981 : memref<!tpu.dma_semaphore, #tpu.memory_space<semaphore_mem>>) src(%dma_wait3A_976 : memref<128x64xf32, #tpu.memory_space<vmem>>) dst(%dma_wait3A_979 : memref<2048x64xf32, #tpu.memory_space<vmem_shared>>)
      %add3A_982 = arith.constant 6 : i32
      %add3A_983 = arith.addi %mul3A_607, %add3A_982 : i32
      %add3A_984 = arith.constant 10 : i32
      %add3A_985 = arith.addi %add3A_983, %add3A_984 : i32
      %dma_start3A_986 = arith.constant 6 : i32
      %dma_start3A_987 = arith.constant 6 : i32
      %dma_start3A_988 = arith.constant 0 : i32
      %dma_start3A_989 = arith.constant 0 : i32
      %dma_start3A_990 = tpu.memref_slice %arg6[%dma_start3A_986, %dma_start3A_988, %dma_start3A_989] : memref<10x128x64xf32, #tpu.memory_space<vmem>> -> memref<1x128x64xf32, #tpu.memory_space<vmem>>
      %dma_start3A_991 = tpu.memref_squeeze %dma_start3A_990 : memref<1x128x64xf32, #tpu.memory_space<vmem>> -> memref<128x64xf32, #tpu.memory_space<vmem>>
      %dma_start3A_992 = arith.constant 0 : i32
      %dma_start3A_993 = tpu.memref_slice %arg5[%add3A_985, %dma_start3A_992] : memref<200x128xi32, #tpu.memory_space<vmem>> -> memref<1x128xi32, #tpu.memory_space<vmem>>
      %dma_start3A_994 = tpu.memref_squeeze %dma_start3A_993 : memref<1x128xi32, #tpu.memory_space<vmem>> -> memref<128xi32, #tpu.memory_space<vmem>>
      %dma_start3A_995 = arith.constant 0 : i32
      %dma_start3A_996 = arith.constant 0 : i32
      %dma_start3A_997 = tpu.memref_slice %arg3[%dma_start3A_995, %dma_start3A_996] : memref<1000000x64xf32, #tpu.memory_space<hbm>> -> memref<1000000x64xf32, #tpu.memory_space<hbm>>
      %dma_start3A_998 = tpu.memref_slice %arg9[%dma_start3A_987] : memref<10x!tpu.dma_semaphore, #tpu.memory_space<semaphore_mem>> -> memref<1x!tpu.dma_semaphore, #tpu.memory_space<semaphore_mem>>
      %dma_start3A_999 = tpu.memref_squeeze %dma_start3A_998 : memref<1x!tpu.dma_semaphore, #tpu.memory_space<semaphore_mem>> -> memref<!tpu.dma_semaphore, #tpu.memory_space<semaphore_mem>>
      tpu.enqueue_indirect_dma source(%dma_start3A_997 : memref<1000000x64xf32, #tpu.memory_space<hbm>>) target(%dma_start3A_991 : memref<128x64xf32, #tpu.memory_space<vmem>>) offsets(%dma_start3A_994 : memref<128xi32, #tpu.memory_space<vmem>>) semaphore(%dma_start3A_999 : memref<!tpu.dma_semaphore, #tpu.memory_space<semaphore_mem>>)
      %add3A_1000 = arith.constant 7 : i32
      %add3A_1001 = arith.addi %mul3A_607, %add3A_1000 : i32
      %dma_wait3A_1002 = arith.constant 7 : i32
      %dma_wait3A_1003 = arith.constant 7 : i32
      %dma_wait3A_1004 = arith.constant 0 : i32
      %dma_wait3A_1005 = arith.constant 0 : i32
      %dma_wait3A_1006 = tpu.memref_slice %arg6[%dma_wait3A_1002, %dma_wait3A_1004, %dma_wait3A_1005] : memref<10x128x64xf32, #tpu.memory_space<vmem>> -> memref<1x128x64xf32, #tpu.memory_space<vmem>>
      %dma_wait3A_1007 = tpu.memref_squeeze %dma_wait3A_1006 : memref<1x128x64xf32, #tpu.memory_space<vmem>> -> memref<128x64xf32, #tpu.memory_space<vmem>>
      %dma_wait3A_1008 = arith.constant 0 : i32
      %dma_wait3A_1009 = tpu.memref_slice %arg5[%add3A_1001, %dma_wait3A_1008] : memref<200x128xi32, #tpu.memory_space<vmem>> -> memref<1x128xi32, #tpu.memory_space<vmem>>
      %dma_wait3A_1010 = tpu.memref_squeeze %dma_wait3A_1009 : memref<1x128xi32, #tpu.memory_space<vmem>> -> memref<128xi32, #tpu.memory_space<vmem>>
      %dma_wait3A_1011 = arith.constant 0 : i32
      %dma_wait3A_1012 = arith.constant 0 : i32
      %dma_wait3A_1013 = tpu.memref_slice %arg3[%dma_wait3A_1011, %dma_wait3A_1012] : memref<1000000x64xf32, #tpu.memory_space<hbm>> -> memref<1000000x64xf32, #tpu.memory_space<hbm>>
      %dma_wait3A_1014 = tpu.memref_slice %arg9[%dma_wait3A_1003] : memref<10x!tpu.dma_semaphore, #tpu.memory_space<semaphore_mem>> -> memref<1x!tpu.dma_semaphore, #tpu.memory_space<semaphore_mem>>
      %dma_wait3A_1015 = tpu.memref_squeeze %dma_wait3A_1014 : memref<1x!tpu.dma_semaphore, #tpu.memory_space<semaphore_mem>> -> memref<!tpu.dma_semaphore, #tpu.memory_space<semaphore_mem>>
      tpu.wait_indirect_dma semaphore(%dma_wait3A_1015 : memref<!tpu.dma_semaphore, #tpu.memory_space<semaphore_mem>>) src(%dma_wait3A_1013 : memref<1000000x64xf32, #tpu.memory_space<hbm>>) dst(%dma_wait3A_1007 : memref<128x64xf32, #tpu.memory_space<vmem>>)
      %dma_start3A_1016 = arith.constant 7 : i32
      %dma_start3A_1017 = arith.constant 7 : i32
      %dma_start3A_1018 = arith.constant 0 : i32
      %dma_start3A_1019 = arith.constant 0 : i32
      %dma_start3A_1020 = tpu.memref_slice %arg6[%dma_start3A_1016, %dma_start3A_1018, %dma_start3A_1019] : memref<10x128x64xf32, #tpu.memory_space<vmem>> -> memref<1x128x64xf32, #tpu.memory_space<vmem>>
      %dma_start3A_1021 = tpu.memref_squeeze %dma_start3A_1020 : memref<1x128x64xf32, #tpu.memory_space<vmem>> -> memref<128x64xf32, #tpu.memory_space<vmem>>
      %dma_start3A_1022 = arith.constant 0 : i32
      %dma_start3A_1023 = arith.constant 0 : i32
      %dma_start3A_1024 = tpu.memref_slice %arg8[%dma_start3A_1022, %dma_start3A_1023] : memref<2048x64xf32, #tpu.memory_space<vmem_shared>> -> memref<2048x64xf32, #tpu.memory_space<vmem_shared>>
      %dma_start3A_1025 = tpu.memref_slice %arg10[%dma_start3A_1017] : memref<10x!tpu.dma_semaphore, #tpu.memory_space<semaphore_mem>> -> memref<1x!tpu.dma_semaphore, #tpu.memory_space<semaphore_mem>>
      %dma_start3A_1026 = tpu.memref_squeeze %dma_start3A_1025 : memref<1x!tpu.dma_semaphore, #tpu.memory_space<semaphore_mem>> -> memref<!tpu.dma_semaphore, #tpu.memory_space<semaphore_mem>>
      tpu.enqueue_indirect_dma source(%dma_start3A_1021 : memref<128x64xf32, #tpu.memory_space<vmem>>) target(%dma_start3A_1024 : memref<2048x64xf32, #tpu.memory_space<vmem_shared>>) offsets(%arg7 : memref<128xi32, #tpu.memory_space<vmem>>) semaphore(%dma_start3A_1026 : memref<!tpu.dma_semaphore, #tpu.memory_space<semaphore_mem>>) {add = true}
      %dma_wait3A_1027 = arith.constant 7 : i32
      %dma_wait3A_1028 = arith.constant 7 : i32
      %dma_wait3A_1029 = arith.constant 0 : i32
      %dma_wait3A_1030 = arith.constant 0 : i32
      %dma_wait3A_1031 = tpu.memref_slice %arg6[%dma_wait3A_1027, %dma_wait3A_1029, %dma_wait3A_1030] : memref<10x128x64xf32, #tpu.memory_space<vmem>> -> memref<1x128x64xf32, #tpu.memory_space<vmem>>
      %dma_wait3A_1032 = tpu.memref_squeeze %dma_wait3A_1031 : memref<1x128x64xf32, #tpu.memory_space<vmem>> -> memref<128x64xf32, #tpu.memory_space<vmem>>
      %dma_wait3A_1033 = arith.constant 0 : i32
      %dma_wait3A_1034 = arith.constant 0 : i32
      %dma_wait3A_1035 = tpu.memref_slice %arg8[%dma_wait3A_1033, %dma_wait3A_1034] : memref<2048x64xf32, #tpu.memory_space<vmem_shared>> -> memref<2048x64xf32, #tpu.memory_space<vmem_shared>>
      %dma_wait3A_1036 = tpu.memref_slice %arg10[%dma_wait3A_1028] : memref<10x!tpu.dma_semaphore, #tpu.memory_space<semaphore_mem>> -> memref<1x!tpu.dma_semaphore, #tpu.memory_space<semaphore_mem>>
      %dma_wait3A_1037 = tpu.memref_squeeze %dma_wait3A_1036 : memref<1x!tpu.dma_semaphore, #tpu.memory_space<semaphore_mem>> -> memref<!tpu.dma_semaphore, #tpu.memory_space<semaphore_mem>>
      tpu.wait_indirect_dma semaphore(%dma_wait3A_1037 : memref<!tpu.dma_semaphore, #tpu.memory_space<semaphore_mem>>) src(%dma_wait3A_1032 : memref<128x64xf32, #tpu.memory_space<vmem>>) dst(%dma_wait3A_1035 : memref<2048x64xf32, #tpu.memory_space<vmem_shared>>)
      %add3A_1038 = arith.constant 7 : i32
      %add3A_1039 = arith.addi %mul3A_607, %add3A_1038 : i32
      %add3A_1040 = arith.constant 10 : i32
      %add3A_1041 = arith.addi %add3A_1039, %add3A_1040 : i32
      %dma_start3A_1042 = arith.constant 7 : i32
      %dma_start3A_1043 = arith.constant 7 : i32
      %dma_start3A_1044 = arith.constant 0 : i32
      %dma_start3A_1045 = arith.constant 0 : i32
      %dma_start3A_1046 = tpu.memref_slice %arg6[%dma_start3A_1042, %dma_start3A_1044, %dma_start3A_1045] : memref<10x128x64xf32, #tpu.memory_space<vmem>> -> memref<1x128x64xf32, #tpu.memory_space<vmem>>
      %dma_start3A_1047 = tpu.memref_squeeze %dma_start3A_1046 : memref<1x128x64xf32, #tpu.memory_space<vmem>> -> memref<128x64xf32, #tpu.memory_space<vmem>>
      %dma_start3A_1048 = arith.constant 0 : i32
      %dma_start3A_1049 = tpu.memref_slice %arg5[%add3A_1041, %dma_start3A_1048] : memref<200x128xi32, #tpu.memory_space<vmem>> -> memref<1x128xi32, #tpu.memory_space<vmem>>
      %dma_start3A_1050 = tpu.memref_squeeze %dma_start3A_1049 : memref<1x128xi32, #tpu.memory_space<vmem>> -> memref<128xi32, #tpu.memory_space<vmem>>
      %dma_start3A_1051 = arith.constant 0 : i32
      %dma_start3A_1052 = arith.constant 0 : i32
      %dma_start3A_1053 = tpu.memref_slice %arg3[%dma_start3A_1051, %dma_start3A_1052] : memref<1000000x64xf32, #tpu.memory_space<hbm>> -> memref<1000000x64xf32, #tpu.memory_space<hbm>>
      %dma_start3A_1054 = tpu.memref_slice %arg9[%dma_start3A_1043] : memref<10x!tpu.dma_semaphore, #tpu.memory_space<semaphore_mem>> -> memref<1x!tpu.dma_semaphore, #tpu.memory_space<semaphore_mem>>
      %dma_start3A_1055 = tpu.memref_squeeze %dma_start3A_1054 : memref<1x!tpu.dma_semaphore, #tpu.memory_space<semaphore_mem>> -> memref<!tpu.dma_semaphore, #tpu.memory_space<semaphore_mem>>
      tpu.enqueue_indirect_dma source(%dma_start3A_1053 : memref<1000000x64xf32, #tpu.memory_space<hbm>>) target(%dma_start3A_1047 : memref<128x64xf32, #tpu.memory_space<vmem>>) offsets(%dma_start3A_1050 : memref<128xi32, #tpu.memory_space<vmem>>) semaphore(%dma_start3A_1055 : memref<!tpu.dma_semaphore, #tpu.memory_space<semaphore_mem>>)
      %add3A_1056 = arith.constant 8 : i32
      %add3A_1057 = arith.addi %mul3A_607, %add3A_1056 : i32
      %dma_wait3A_1058 = arith.constant 8 : i32
      %dma_wait3A_1059 = arith.constant 8 : i32
      %dma_wait3A_1060 = arith.constant 0 : i32
      %dma_wait3A_1061 = arith.constant 0 : i32
      %dma_wait3A_1062 = tpu.memref_slice %arg6[%dma_wait3A_1058, %dma_wait3A_1060, %dma_wait3A_1061] : memref<10x128x64xf32, #tpu.memory_space<vmem>> -> memref<1x128x64xf32, #tpu.memory_space<vmem>>
      %dma_wait3A_1063 = tpu.memref_squeeze %dma_wait3A_1062 : memref<1x128x64xf32, #tpu.memory_space<vmem>> -> memref<128x64xf32, #tpu.memory_space<vmem>>
      %dma_wait3A_1064 = arith.constant 0 : i32
      %dma_wait3A_1065 = tpu.memref_slice %arg5[%add3A_1057, %dma_wait3A_1064] : memref<200x128xi32, #tpu.memory_space<vmem>> -> memref<1x128xi32, #tpu.memory_space<vmem>>
      %dma_wait3A_1066 = tpu.memref_squeeze %dma_wait3A_1065 : memref<1x128xi32, #tpu.memory_space<vmem>> -> memref<128xi32, #tpu.memory_space<vmem>>
      %dma_wait3A_1067 = arith.constant 0 : i32
      %dma_wait3A_1068 = arith.constant 0 : i32
      %dma_wait3A_1069 = tpu.memref_slice %arg3[%dma_wait3A_1067, %dma_wait3A_1068] : memref<1000000x64xf32, #tpu.memory_space<hbm>> -> memref<1000000x64xf32, #tpu.memory_space<hbm>>
      %dma_wait3A_1070 = tpu.memref_slice %arg9[%dma_wait3A_1059] : memref<10x!tpu.dma_semaphore, #tpu.memory_space<semaphore_mem>> -> memref<1x!tpu.dma_semaphore, #tpu.memory_space<semaphore_mem>>
      %dma_wait3A_1071 = tpu.memref_squeeze %dma_wait3A_1070 : memref<1x!tpu.dma_semaphore, #tpu.memory_space<semaphore_mem>> -> memref<!tpu.dma_semaphore, #tpu.memory_space<semaphore_mem>>
      tpu.wait_indirect_dma semaphore(%dma_wait3A_1071 : memref<!tpu.dma_semaphore, #tpu.memory_space<semaphore_mem>>) src(%dma_wait3A_1069 : memref<1000000x64xf32, #tpu.memory_space<hbm>>) dst(%dma_wait3A_1063 : memref<128x64xf32, #tpu.memory_space<vmem>>)
      %dma_start3A_1072 = arith.constant 8 : i32
      %dma_start3A_1073 = arith.constant 8 : i32
      %dma_start3A_1074 = arith.constant 0 : i32
      %dma_start3A_1075 = arith.constant 0 : i32
      %dma_start3A_1076 = tpu.memref_slice %arg6[%dma_start3A_1072, %dma_start3A_1074, %dma_start3A_1075] : memref<10x128x64xf32, #tpu.memory_space<vmem>> -> memref<1x128x64xf32, #tpu.memory_space<vmem>>
      %dma_start3A_1077 = tpu.memref_squeeze %dma_start3A_1076 : memref<1x128x64xf32, #tpu.memory_space<vmem>> -> memref<128x64xf32, #tpu.memory_space<vmem>>
      %dma_start3A_1078 = arith.constant 0 : i32
      %dma_start3A_1079 = arith.constant 0 : i32
      %dma_start3A_1080 = tpu.memref_slice %arg8[%dma_start3A_1078, %dma_start3A_1079] : memref<2048x64xf32, #tpu.memory_space<vmem_shared>> -> memref<2048x64xf32, #tpu.memory_space<vmem_shared>>
      %dma_start3A_1081 = tpu.memref_slice %arg10[%dma_start3A_1073] : memref<10x!tpu.dma_semaphore, #tpu.memory_space<semaphore_mem>> -> memref<1x!tpu.dma_semaphore, #tpu.memory_space<semaphore_mem>>
      %dma_start3A_1082 = tpu.memref_squeeze %dma_start3A_1081 : memref<1x!tpu.dma_semaphore, #tpu.memory_space<semaphore_mem>> -> memref<!tpu.dma_semaphore, #tpu.memory_space<semaphore_mem>>
      tpu.enqueue_indirect_dma source(%dma_start3A_1077 : memref<128x64xf32, #tpu.memory_space<vmem>>) target(%dma_start3A_1080 : memref<2048x64xf32, #tpu.memory_space<vmem_shared>>) offsets(%arg7 : memref<128xi32, #tpu.memory_space<vmem>>) semaphore(%dma_start3A_1082 : memref<!tpu.dma_semaphore, #tpu.memory_space<semaphore_mem>>) {add = true}
      %dma_wait3A_1083 = arith.constant 8 : i32
      %dma_wait3A_1084 = arith.constant 8 : i32
      %dma_wait3A_1085 = arith.constant 0 : i32
      %dma_wait3A_1086 = arith.constant 0 : i32
      %dma_wait3A_1087 = tpu.memref_slice %arg6[%dma_wait3A_1083, %dma_wait3A_1085, %dma_wait3A_1086] : memref<10x128x64xf32, #tpu.memory_space<vmem>> -> memref<1x128x64xf32, #tpu.memory_space<vmem>>
      %dma_wait3A_1088 = tpu.memref_squeeze %dma_wait3A_1087 : memref<1x128x64xf32, #tpu.memory_space<vmem>> -> memref<128x64xf32, #tpu.memory_space<vmem>>
      %dma_wait3A_1089 = arith.constant 0 : i32
      %dma_wait3A_1090 = arith.constant 0 : i32
      %dma_wait3A_1091 = tpu.memref_slice %arg8[%dma_wait3A_1089, %dma_wait3A_1090] : memref<2048x64xf32, #tpu.memory_space<vmem_shared>> -> memref<2048x64xf32, #tpu.memory_space<vmem_shared>>
      %dma_wait3A_1092 = tpu.memref_slice %arg10[%dma_wait3A_1084] : memref<10x!tpu.dma_semaphore, #tpu.memory_space<semaphore_mem>> -> memref<1x!tpu.dma_semaphore, #tpu.memory_space<semaphore_mem>>
      %dma_wait3A_1093 = tpu.memref_squeeze %dma_wait3A_1092 : memref<1x!tpu.dma_semaphore, #tpu.memory_space<semaphore_mem>> -> memref<!tpu.dma_semaphore, #tpu.memory_space<semaphore_mem>>
      tpu.wait_indirect_dma semaphore(%dma_wait3A_1093 : memref<!tpu.dma_semaphore, #tpu.memory_space<semaphore_mem>>) src(%dma_wait3A_1088 : memref<128x64xf32, #tpu.memory_space<vmem>>) dst(%dma_wait3A_1091 : memref<2048x64xf32, #tpu.memory_space<vmem_shared>>)
      %add3A_1094 = arith.constant 8 : i32
      %add3A_1095 = arith.addi %mul3A_607, %add3A_1094 : i32
      %add3A_1096 = arith.constant 10 : i32
      %add3A_1097 = arith.addi %add3A_1095, %add3A_1096 : i32
      %dma_start3A_1098 = arith.constant 8 : i32
      %dma_start3A_1099 = arith.constant 8 : i32
      %dma_start3A_1100 = arith.constant 0 : i32
      %dma_start3A_1101 = arith.constant 0 : i32
      %dma_start3A_1102 = tpu.memref_slice %arg6[%dma_start3A_1098, %dma_start3A_1100, %dma_start3A_1101] : memref<10x128x64xf32, #tpu.memory_space<vmem>> -> memref<1x128x64xf32, #tpu.memory_space<vmem>>
      %dma_start3A_1103 = tpu.memref_squeeze %dma_start3A_1102 : memref<1x128x64xf32, #tpu.memory_space<vmem>> -> memref<128x64xf32, #tpu.memory_space<vmem>>
      %dma_start3A_1104 = arith.constant 0 : i32
      %dma_start3A_1105 = tpu.memref_slice %arg5[%add3A_1097, %dma_start3A_1104] : memref<200x128xi32, #tpu.memory_space<vmem>> -> memref<1x128xi32, #tpu.memory_space<vmem>>
      %dma_start3A_1106 = tpu.memref_squeeze %dma_start3A_1105 : memref<1x128xi32, #tpu.memory_space<vmem>> -> memref<128xi32, #tpu.memory_space<vmem>>
      %dma_start3A_1107 = arith.constant 0 : i32
      %dma_start3A_1108 = arith.constant 0 : i32
      %dma_start3A_1109 = tpu.memref_slice %arg3[%dma_start3A_1107, %dma_start3A_1108] : memref<1000000x64xf32, #tpu.memory_space<hbm>> -> memref<1000000x64xf32, #tpu.memory_space<hbm>>
      %dma_start3A_1110 = tpu.memref_slice %arg9[%dma_start3A_1099] : memref<10x!tpu.dma_semaphore, #tpu.memory_space<semaphore_mem>> -> memref<1x!tpu.dma_semaphore, #tpu.memory_space<semaphore_mem>>
      %dma_start3A_1111 = tpu.memref_squeeze %dma_start3A_1110 : memref<1x!tpu.dma_semaphore, #tpu.memory_space<semaphore_mem>> -> memref<!tpu.dma_semaphore, #tpu.memory_space<semaphore_mem>>
      tpu.enqueue_indirect_dma source(%dma_start3A_1109 : memref<1000000x64xf32, #tpu.memory_space<hbm>>) target(%dma_start3A_1103 : memref<128x64xf32, #tpu.memory_space<vmem>>) offsets(%dma_start3A_1106 : memref<128xi32, #tpu.memory_space<vmem>>) semaphore(%dma_start3A_1111 : memref<!tpu.dma_semaphore, #tpu.memory_space<semaphore_mem>>)
      %add3A_1112 = arith.constant 9 : i32
      %add3A_1113 = arith.addi %mul3A_607, %add3A_1112 : i32
      %dma_wait3A_1114 = arith.constant 9 : i32
      %dma_wait3A_1115 = arith.constant 9 : i32
      %dma_wait3A_1116 = arith.constant 0 : i32
      %dma_wait3A_1117 = arith.constant 0 : i32
      %dma_wait3A_1118 = tpu.memref_slice %arg6[%dma_wait3A_1114, %dma_wait3A_1116, %dma_wait3A_1117] : memref<10x128x64xf32, #tpu.memory_space<vmem>> -> memref<1x128x64xf32, #tpu.memory_space<vmem>>
      %dma_wait3A_1119 = tpu.memref_squeeze %dma_wait3A_1118 : memref<1x128x64xf32, #tpu.memory_space<vmem>> -> memref<128x64xf32, #tpu.memory_space<vmem>>
      %dma_wait3A_1120 = arith.constant 0 : i32
      %dma_wait3A_1121 = tpu.memref_slice %arg5[%add3A_1113, %dma_wait3A_1120] : memref<200x128xi32, #tpu.memory_space<vmem>> -> memref<1x128xi32, #tpu.memory_space<vmem>>
      %dma_wait3A_1122 = tpu.memref_squeeze %dma_wait3A_1121 : memref<1x128xi32, #tpu.memory_space<vmem>> -> memref<128xi32, #tpu.memory_space<vmem>>
      %dma_wait3A_1123 = arith.constant 0 : i32
      %dma_wait3A_1124 = arith.constant 0 : i32
      %dma_wait3A_1125 = tpu.memref_slice %arg3[%dma_wait3A_1123, %dma_wait3A_1124] : memref<1000000x64xf32, #tpu.memory_space<hbm>> -> memref<1000000x64xf32, #tpu.memory_space<hbm>>
      %dma_wait3A_1126 = tpu.memref_slice %arg9[%dma_wait3A_1115] : memref<10x!tpu.dma_semaphore, #tpu.memory_space<semaphore_mem>> -> memref<1x!tpu.dma_semaphore, #tpu.memory_space<semaphore_mem>>
      %dma_wait3A_1127 = tpu.memref_squeeze %dma_wait3A_1126 : memref<1x!tpu.dma_semaphore, #tpu.memory_space<semaphore_mem>> -> memref<!tpu.dma_semaphore, #tpu.memory_space<semaphore_mem>>
      tpu.wait_indirect_dma semaphore(%dma_wait3A_1127 : memref<!tpu.dma_semaphore, #tpu.memory_space<semaphore_mem>>) src(%dma_wait3A_1125 : memref<1000000x64xf32, #tpu.memory_space<hbm>>) dst(%dma_wait3A_1119 : memref<128x64xf32, #tpu.memory_space<vmem>>)
      %dma_start3A_1128 = arith.constant 9 : i32
      %dma_start3A_1129 = arith.constant 9 : i32
      %dma_start3A_1130 = arith.constant 0 : i32
      %dma_start3A_1131 = arith.constant 0 : i32
      %dma_start3A_1132 = tpu.memref_slice %arg6[%dma_start3A_1128, %dma_start3A_1130, %dma_start3A_1131] : memref<10x128x64xf32, #tpu.memory_space<vmem>> -> memref<1x128x64xf32, #tpu.memory_space<vmem>>
      %dma_start3A_1133 = tpu.memref_squeeze %dma_start3A_1132 : memref<1x128x64xf32, #tpu.memory_space<vmem>> -> memref<128x64xf32, #tpu.memory_space<vmem>>
      %dma_start3A_1134 = arith.constant 0 : i32
      %dma_start3A_1135 = arith.constant 0 : i32
      %dma_start3A_1136 = tpu.memref_slice %arg8[%dma_start3A_1134, %dma_start3A_1135] : memref<2048x64xf32, #tpu.memory_space<vmem_shared>> -> memref<2048x64xf32, #tpu.memory_space<vmem_shared>>
      %dma_start3A_1137 = tpu.memref_slice %arg10[%dma_start3A_1129] : memref<10x!tpu.dma_semaphore, #tpu.memory_space<semaphore_mem>> -> memref<1x!tpu.dma_semaphore, #tpu.memory_space<semaphore_mem>>
      %dma_start3A_1138 = tpu.memref_squeeze %dma_start3A_1137 : memref<1x!tpu.dma_semaphore, #tpu.memory_space<semaphore_mem>> -> memref<!tpu.dma_semaphore, #tpu.memory_space<semaphore_mem>>
      tpu.enqueue_indirect_dma source(%dma_start3A_1133 : memref<128x64xf32, #tpu.memory_space<vmem>>) target(%dma_start3A_1136 : memref<2048x64xf32, #tpu.memory_space<vmem_shared>>) offsets(%arg7 : memref<128xi32, #tpu.memory_space<vmem>>) semaphore(%dma_start3A_1138 : memref<!tpu.dma_semaphore, #tpu.memory_space<semaphore_mem>>) {add = true}
      %dma_wait3A_1139 = arith.constant 9 : i32
      %dma_wait3A_1140 = arith.constant 9 : i32
      %dma_wait3A_1141 = arith.constant 0 : i32
      %dma_wait3A_1142 = arith.constant 0 : i32
      %dma_wait3A_1143 = tpu.memref_slice %arg6[%dma_wait3A_1139, %dma_wait3A_1141, %dma_wait3A_1142] : memref<10x128x64xf32, #tpu.memory_space<vmem>> -> memref<1x128x64xf32, #tpu.memory_space<vmem>>
      %dma_wait3A_1144 = tpu.memref_squeeze %dma_wait3A_1143 : memref<1x128x64xf32, #tpu.memory_space<vmem>> -> memref<128x64xf32, #tpu.memory_space<vmem>>
      %dma_wait3A_1145 = arith.constant 0 : i32
      %dma_wait3A_1146 = arith.constant 0 : i32
      %dma_wait3A_1147 = tpu.memref_slice %arg8[%dma_wait3A_1145, %dma_wait3A_1146] : memref<2048x64xf32, #tpu.memory_space<vmem_shared>> -> memref<2048x64xf32, #tpu.memory_space<vmem_shared>>
      %dma_wait3A_1148 = tpu.memref_slice %arg10[%dma_wait3A_1140] : memref<10x!tpu.dma_semaphore, #tpu.memory_space<semaphore_mem>> -> memref<1x!tpu.dma_semaphore, #tpu.memory_space<semaphore_mem>>
      %dma_wait3A_1149 = tpu.memref_squeeze %dma_wait3A_1148 : memref<1x!tpu.dma_semaphore, #tpu.memory_space<semaphore_mem>> -> memref<!tpu.dma_semaphore, #tpu.memory_space<semaphore_mem>>
      tpu.wait_indirect_dma semaphore(%dma_wait3A_1149 : memref<!tpu.dma_semaphore, #tpu.memory_space<semaphore_mem>>) src(%dma_wait3A_1144 : memref<128x64xf32, #tpu.memory_space<vmem>>) dst(%dma_wait3A_1147 : memref<2048x64xf32, #tpu.memory_space<vmem_shared>>)
      %add3A_1150 = arith.constant 9 : i32
      %add3A_1151 = arith.addi %mul3A_607, %add3A_1150 : i32
      %add3A_1152 = arith.constant 10 : i32
      %add3A_1153 = arith.addi %add3A_1151, %add3A_1152 : i32
      %dma_start3A_1154 = arith.constant 9 : i32
      %dma_start3A_1155 = arith.constant 9 : i32
      %dma_start3A_1156 = arith.constant 0 : i32
      %dma_start3A_1157 = arith.constant 0 : i32
      %dma_start3A_1158 = tpu.memref_slice %arg6[%dma_start3A_1154, %dma_start3A_1156, %dma_start3A_1157] : memref<10x128x64xf32, #tpu.memory_space<vmem>> -> memref<1x128x64xf32, #tpu.memory_space<vmem>>
      %dma_start3A_1159 = tpu.memref_squeeze %dma_start3A_1158 : memref<1x128x64xf32, #tpu.memory_space<vmem>> -> memref<128x64xf32, #tpu.memory_space<vmem>>
      %dma_start3A_1160 = arith.constant 0 : i32
      %dma_start3A_1161 = tpu.memref_slice %arg5[%add3A_1153, %dma_start3A_1160] : memref<200x128xi32, #tpu.memory_space<vmem>> -> memref<1x128xi32, #tpu.memory_space<vmem>>
      %dma_start3A_1162 = tpu.memref_squeeze %dma_start3A_1161 : memref<1x128xi32, #tpu.memory_space<vmem>> -> memref<128xi32, #tpu.memory_space<vmem>>
      %dma_start3A_1163 = arith.constant 0 : i32
      %dma_start3A_1164 = arith.constant 0 : i32
      %dma_start3A_1165 = tpu.memref_slice %arg3[%dma_start3A_1163, %dma_start3A_1164] : memref<1000000x64xf32, #tpu.memory_space<hbm>> -> memref<1000000x64xf32, #tpu.memory_space<hbm>>
      %dma_start3A_1166 = tpu.memref_slice %arg9[%dma_start3A_1155] : memref<10x!tpu.dma_semaphore, #tpu.memory_space<semaphore_mem>> -> memref<1x!tpu.dma_semaphore, #tpu.memory_space<semaphore_mem>>
      %dma_start3A_1167 = tpu.memref_squeeze %dma_start3A_1166 : memref<1x!tpu.dma_semaphore, #tpu.memory_space<semaphore_mem>> -> memref<!tpu.dma_semaphore, #tpu.memory_space<semaphore_mem>>
      tpu.enqueue_indirect_dma source(%dma_start3A_1165 : memref<1000000x64xf32, #tpu.memory_space<hbm>>) target(%dma_start3A_1159 : memref<128x64xf32, #tpu.memory_space<vmem>>) offsets(%dma_start3A_1162 : memref<128xi32, #tpu.memory_space<vmem>>) semaphore(%dma_start3A_1167 : memref<!tpu.dma_semaphore, #tpu.memory_space<semaphore_mem>>)
    }
    %scan3A_235 = arith.constant 19 : i32
    %dma_wait3A = arith.constant 190 : i32
    %dma_wait3A_236 = arith.constant 0 : i32
    %dma_wait3A_237 = arith.constant 0 : i32
    %dma_wait3A_238 = arith.constant 0 : i32
    %dma_wait3A_239 = arith.constant 0 : i32
    %dma_wait3A_240 = tpu.memref_slice %arg6[%dma_wait3A_236, %dma_wait3A_238, %dma_wait3A_239] : memref<10x128x64xf32, #tpu.memory_space<vmem>> -> memref<1x128x64xf32, #tpu.memory_space<vmem>>
    %dma_wait3A_241 = tpu.memref_squeeze %dma_wait3A_240 : memref<1x128x64xf32, #tpu.memory_space<vmem>> -> memref<128x64xf32, #tpu.memory_space<vmem>>
    %dma_wait3A_242 = arith.constant 0 : i32
    %dma_wait3A_243 = tpu.memref_slice %arg5[%dma_wait3A, %dma_wait3A_242] : memref<200x128xi32, #tpu.memory_space<vmem>> -> memref<1x128xi32, #tpu.memory_space<vmem>>
    %dma_wait3A_244 = tpu.memref_squeeze %dma_wait3A_243 : memref<1x128xi32, #tpu.memory_space<vmem>> -> memref<128xi32, #tpu.memory_space<vmem>>
    %dma_wait3A_245 = arith.constant 0 : i32
    %dma_wait3A_246 = arith.constant 0 : i32
    %dma_wait3A_247 = tpu.memref_slice %arg3[%dma_wait3A_245, %dma_wait3A_246] : memref<1000000x64xf32, #tpu.memory_space<hbm>> -> memref<1000000x64xf32, #tpu.memory_space<hbm>>
    %dma_wait3A_248 = tpu.memref_slice %arg9[%dma_wait3A_237] : memref<10x!tpu.dma_semaphore, #tpu.memory_space<semaphore_mem>> -> memref<1x!tpu.dma_semaphore, #tpu.memory_space<semaphore_mem>>
    %dma_wait3A_249 = tpu.memref_squeeze %dma_wait3A_248 : memref<1x!tpu.dma_semaphore, #tpu.memory_space<semaphore_mem>> -> memref<!tpu.dma_semaphore, #tpu.memory_space<semaphore_mem>>
    tpu.wait_indirect_dma semaphore(%dma_wait3A_249 : memref<!tpu.dma_semaphore, #tpu.memory_space<semaphore_mem>>) src(%dma_wait3A_247 : memref<1000000x64xf32, #tpu.memory_space<hbm>>) dst(%dma_wait3A_241 : memref<128x64xf32, #tpu.memory_space<vmem>>)
    %dma_start3A_250 = arith.constant 0 : i32
    %dma_start3A_251 = arith.constant 0 : i32
    %dma_start3A_252 = arith.constant 0 : i32
    %dma_start3A_253 = arith.constant 0 : i32
    %dma_start3A_254 = tpu.memref_slice %arg6[%dma_start3A_250, %dma_start3A_252, %dma_start3A_253] : memref<10x128x64xf32, #tpu.memory_space<vmem>> -> memref<1x128x64xf32, #tpu.memory_space<vmem>>
    %dma_start3A_255 = tpu.memref_squeeze %dma_start3A_254 : memref<1x128x64xf32, #tpu.memory_space<vmem>> -> memref<128x64xf32, #tpu.memory_space<vmem>>
    %dma_start3A_256 = arith.constant 0 : i32
    %dma_start3A_257 = arith.constant 0 : i32
    %dma_start3A_258 = tpu.memref_slice %arg8[%dma_start3A_256, %dma_start3A_257] : memref<2048x64xf32, #tpu.memory_space<vmem_shared>> -> memref<2048x64xf32, #tpu.memory_space<vmem_shared>>
    %dma_start3A_259 = tpu.memref_slice %arg10[%dma_start3A_251] : memref<10x!tpu.dma_semaphore, #tpu.memory_space<semaphore_mem>> -> memref<1x!tpu.dma_semaphore, #tpu.memory_space<semaphore_mem>>
    %dma_start3A_260 = tpu.memref_squeeze %dma_start3A_259 : memref<1x!tpu.dma_semaphore, #tpu.memory_space<semaphore_mem>> -> memref<!tpu.dma_semaphore, #tpu.memory_space<semaphore_mem>>
    tpu.enqueue_indirect_dma source(%dma_start3A_255 : memref<128x64xf32, #tpu.memory_space<vmem>>) target(%dma_start3A_258 : memref<2048x64xf32, #tpu.memory_space<vmem_shared>>) offsets(%arg7 : memref<128xi32, #tpu.memory_space<vmem>>) semaphore(%dma_start3A_260 : memref<!tpu.dma_semaphore, #tpu.memory_space<semaphore_mem>>) {add = true}
    %dma_wait3A_261 = arith.constant 191 : i32
    %dma_wait3A_262 = arith.constant 1 : i32
    %dma_wait3A_263 = arith.constant 1 : i32
    %dma_wait3A_264 = arith.constant 0 : i32
    %dma_wait3A_265 = arith.constant 0 : i32
    %dma_wait3A_266 = tpu.memref_slice %arg6[%dma_wait3A_262, %dma_wait3A_264, %dma_wait3A_265] : memref<10x128x64xf32, #tpu.memory_space<vmem>> -> memref<1x128x64xf32, #tpu.memory_space<vmem>>
    %dma_wait3A_267 = tpu.memref_squeeze %dma_wait3A_266 : memref<1x128x64xf32, #tpu.memory_space<vmem>> -> memref<128x64xf32, #tpu.memory_space<vmem>>
    %dma_wait3A_268 = arith.constant 0 : i32
    %dma_wait3A_269 = tpu.memref_slice %arg5[%dma_wait3A_261, %dma_wait3A_268] : memref<200x128xi32, #tpu.memory_space<vmem>> -> memref<1x128xi32, #tpu.memory_space<vmem>>
    %dma_wait3A_270 = tpu.memref_squeeze %dma_wait3A_269 : memref<1x128xi32, #tpu.memory_space<vmem>> -> memref<128xi32, #tpu.memory_space<vmem>>
    %dma_wait3A_271 = arith.constant 0 : i32
    %dma_wait3A_272 = arith.constant 0 : i32
    %dma_wait3A_273 = tpu.memref_slice %arg3[%dma_wait3A_271, %dma_wait3A_272] : memref<1000000x64xf32, #tpu.memory_space<hbm>> -> memref<1000000x64xf32, #tpu.memory_space<hbm>>
    %dma_wait3A_274 = tpu.memref_slice %arg9[%dma_wait3A_263] : memref<10x!tpu.dma_semaphore, #tpu.memory_space<semaphore_mem>> -> memref<1x!tpu.dma_semaphore, #tpu.memory_space<semaphore_mem>>
    %dma_wait3A_275 = tpu.memref_squeeze %dma_wait3A_274 : memref<1x!tpu.dma_semaphore, #tpu.memory_space<semaphore_mem>> -> memref<!tpu.dma_semaphore, #tpu.memory_space<semaphore_mem>>
    tpu.wait_indirect_dma semaphore(%dma_wait3A_275 : memref<!tpu.dma_semaphore, #tpu.memory_space<semaphore_mem>>) src(%dma_wait3A_273 : memref<1000000x64xf32, #tpu.memory_space<hbm>>) dst(%dma_wait3A_267 : memref<128x64xf32, #tpu.memory_space<vmem>>)
    %dma_start3A_276 = arith.constant 1 : i32
    %dma_start3A_277 = arith.constant 1 : i32
    %dma_start3A_278 = arith.constant 0 : i32
    %dma_start3A_279 = arith.constant 0 : i32
    %dma_start3A_280 = tpu.memref_slice %arg6[%dma_start3A_276, %dma_start3A_278, %dma_start3A_279] : memref<10x128x64xf32, #tpu.memory_space<vmem>> -> memref<1x128x64xf32, #tpu.memory_space<vmem>>
    %dma_start3A_281 = tpu.memref_squeeze %dma_start3A_280 : memref<1x128x64xf32, #tpu.memory_space<vmem>> -> memref<128x64xf32, #tpu.memory_space<vmem>>
    %dma_start3A_282 = arith.constant 0 : i32
    %dma_start3A_283 = arith.constant 0 : i32
    %dma_start3A_284 = tpu.memref_slice %arg8[%dma_start3A_282, %dma_start3A_283] : memref<2048x64xf32, #tpu.memory_space<vmem_shared>> -> memref<2048x64xf32, #tpu.memory_space<vmem_shared>>
    %dma_start3A_285 = tpu.memref_slice %arg10[%dma_start3A_277] : memref<10x!tpu.dma_semaphore, #tpu.memory_space<semaphore_mem>> -> memref<1x!tpu.dma_semaphore, #tpu.memory_space<semaphore_mem>>
    %dma_start3A_286 = tpu.memref_squeeze %dma_start3A_285 : memref<1x!tpu.dma_semaphore, #tpu.memory_space<semaphore_mem>> -> memref<!tpu.dma_semaphore, #tpu.memory_space<semaphore_mem>>
    tpu.enqueue_indirect_dma source(%dma_start3A_281 : memref<128x64xf32, #tpu.memory_space<vmem>>) target(%dma_start3A_284 : memref<2048x64xf32, #tpu.memory_space<vmem_shared>>) offsets(%arg7 : memref<128xi32, #tpu.memory_space<vmem>>) semaphore(%dma_start3A_286 : memref<!tpu.dma_semaphore, #tpu.memory_space<semaphore_mem>>) {add = true}
    %dma_wait3A_287 = arith.constant 192 : i32
    %dma_wait3A_288 = arith.constant 2 : i32
    %dma_wait3A_289 = arith.constant 2 : i32
    %dma_wait3A_290 = arith.constant 0 : i32
    %dma_wait3A_291 = arith.constant 0 : i32
    %dma_wait3A_292 = tpu.memref_slice %arg6[%dma_wait3A_288, %dma_wait3A_290, %dma_wait3A_291] : memref<10x128x64xf32, #tpu.memory_space<vmem>> -> memref<1x128x64xf32, #tpu.memory_space<vmem>>
    %dma_wait3A_293 = tpu.memref_squeeze %dma_wait3A_292 : memref<1x128x64xf32, #tpu.memory_space<vmem>> -> memref<128x64xf32, #tpu.memory_space<vmem>>
    %dma_wait3A_294 = arith.constant 0 : i32
    %dma_wait3A_295 = tpu.memref_slice %arg5[%dma_wait3A_287, %dma_wait3A_294] : memref<200x128xi32, #tpu.memory_space<vmem>> -> memref<1x128xi32, #tpu.memory_space<vmem>>
    %dma_wait3A_296 = tpu.memref_squeeze %dma_wait3A_295 : memref<1x128xi32, #tpu.memory_space<vmem>> -> memref<128xi32, #tpu.memory_space<vmem>>
    %dma_wait3A_297 = arith.constant 0 : i32
    %dma_wait3A_298 = arith.constant 0 : i32
    %dma_wait3A_299 = tpu.memref_slice %arg3[%dma_wait3A_297, %dma_wait3A_298] : memref<1000000x64xf32, #tpu.memory_space<hbm>> -> memref<1000000x64xf32, #tpu.memory_space<hbm>>
    %dma_wait3A_300 = tpu.memref_slice %arg9[%dma_wait3A_289] : memref<10x!tpu.dma_semaphore, #tpu.memory_space<semaphore_mem>> -> memref<1x!tpu.dma_semaphore, #tpu.memory_space<semaphore_mem>>
    %dma_wait3A_301 = tpu.memref_squeeze %dma_wait3A_300 : memref<1x!tpu.dma_semaphore, #tpu.memory_space<semaphore_mem>> -> memref<!tpu.dma_semaphore, #tpu.memory_space<semaphore_mem>>
    tpu.wait_indirect_dma semaphore(%dma_wait3A_301 : memref<!tpu.dma_semaphore, #tpu.memory_space<semaphore_mem>>) src(%dma_wait3A_299 : memref<1000000x64xf32, #tpu.memory_space<hbm>>) dst(%dma_wait3A_293 : memref<128x64xf32, #tpu.memory_space<vmem>>)
    %dma_start3A_302 = arith.constant 2 : i32
    %dma_start3A_303 = arith.constant 2 : i32
    %dma_start3A_304 = arith.constant 0 : i32
    %dma_start3A_305 = arith.constant 0 : i32
    %dma_start3A_306 = tpu.memref_slice %arg6[%dma_start3A_302, %dma_start3A_304, %dma_start3A_305] : memref<10x128x64xf32, #tpu.memory_space<vmem>> -> memref<1x128x64xf32, #tpu.memory_space<vmem>>
    %dma_start3A_307 = tpu.memref_squeeze %dma_start3A_306 : memref<1x128x64xf32, #tpu.memory_space<vmem>> -> memref<128x64xf32, #tpu.memory_space<vmem>>
    %dma_start3A_308 = arith.constant 0 : i32
    %dma_start3A_309 = arith.constant 0 : i32
    %dma_start3A_310 = tpu.memref_slice %arg8[%dma_start3A_308, %dma_start3A_309] : memref<2048x64xf32, #tpu.memory_space<vmem_shared>> -> memref<2048x64xf32, #tpu.memory_space<vmem_shared>>
    %dma_start3A_311 = tpu.memref_slice %arg10[%dma_start3A_303] : memref<10x!tpu.dma_semaphore, #tpu.memory_space<semaphore_mem>> -> memref<1x!tpu.dma_semaphore, #tpu.memory_space<semaphore_mem>>
    %dma_start3A_312 = tpu.memref_squeeze %dma_start3A_311 : memref<1x!tpu.dma_semaphore, #tpu.memory_space<semaphore_mem>> -> memref<!tpu.dma_semaphore, #tpu.memory_space<semaphore_mem>>
    tpu.enqueue_indirect_dma source(%dma_start3A_307 : memref<128x64xf32, #tpu.memory_space<vmem>>) target(%dma_start3A_310 : memref<2048x64xf32, #tpu.memory_space<vmem_shared>>) offsets(%arg7 : memref<128xi32, #tpu.memory_space<vmem>>) semaphore(%dma_start3A_312 : memref<!tpu.dma_semaphore, #tpu.memory_space<semaphore_mem>>) {add = true}
    %dma_wait3A_313 = arith.constant 193 : i32
    %dma_wait3A_314 = arith.constant 3 : i32
    %dma_wait3A_315 = arith.constant 3 : i32
    %dma_wait3A_316 = arith.constant 0 : i32
    %dma_wait3A_317 = arith.constant 0 : i32
    %dma_wait3A_318 = tpu.memref_slice %arg6[%dma_wait3A_314, %dma_wait3A_316, %dma_wait3A_317] : memref<10x128x64xf32, #tpu.memory_space<vmem>> -> memref<1x128x64xf32, #tpu.memory_space<vmem>>
    %dma_wait3A_319 = tpu.memref_squeeze %dma_wait3A_318 : memref<1x128x64xf32, #tpu.memory_space<vmem>> -> memref<128x64xf32, #tpu.memory_space<vmem>>
    %dma_wait3A_320 = arith.constant 0 : i32
    %dma_wait3A_321 = tpu.memref_slice %arg5[%dma_wait3A_313, %dma_wait3A_320] : memref<200x128xi32, #tpu.memory_space<vmem>> -> memref<1x128xi32, #tpu.memory_space<vmem>>
    %dma_wait3A_322 = tpu.memref_squeeze %dma_wait3A_321 : memref<1x128xi32, #tpu.memory_space<vmem>> -> memref<128xi32, #tpu.memory_space<vmem>>
    %dma_wait3A_323 = arith.constant 0 : i32
    %dma_wait3A_324 = arith.constant 0 : i32
    %dma_wait3A_325 = tpu.memref_slice %arg3[%dma_wait3A_323, %dma_wait3A_324] : memref<1000000x64xf32, #tpu.memory_space<hbm>> -> memref<1000000x64xf32, #tpu.memory_space<hbm>>
    %dma_wait3A_326 = tpu.memref_slice %arg9[%dma_wait3A_315] : memref<10x!tpu.dma_semaphore, #tpu.memory_space<semaphore_mem>> -> memref<1x!tpu.dma_semaphore, #tpu.memory_space<semaphore_mem>>
    %dma_wait3A_327 = tpu.memref_squeeze %dma_wait3A_326 : memref<1x!tpu.dma_semaphore, #tpu.memory_space<semaphore_mem>> -> memref<!tpu.dma_semaphore, #tpu.memory_space<semaphore_mem>>
    tpu.wait_indirect_dma semaphore(%dma_wait3A_327 : memref<!tpu.dma_semaphore, #tpu.memory_space<semaphore_mem>>) src(%dma_wait3A_325 : memref<1000000x64xf32, #tpu.memory_space<hbm>>) dst(%dma_wait3A_319 : memref<128x64xf32, #tpu.memory_space<vmem>>)
    %dma_start3A_328 = arith.constant 3 : i32
    %dma_start3A_329 = arith.constant 3 : i32
    %dma_start3A_330 = arith.constant 0 : i32
    %dma_start3A_331 = arith.constant 0 : i32
    %dma_start3A_332 = tpu.memref_slice %arg6[%dma_start3A_328, %dma_start3A_330, %dma_start3A_331] : memref<10x128x64xf32, #tpu.memory_space<vmem>> -> memref<1x128x64xf32, #tpu.memory_space<vmem>>
    %dma_start3A_333 = tpu.memref_squeeze %dma_start3A_332 : memref<1x128x64xf32, #tpu.memory_space<vmem>> -> memref<128x64xf32, #tpu.memory_space<vmem>>
    %dma_start3A_334 = arith.constant 0 : i32
    %dma_start3A_335 = arith.constant 0 : i32
    %dma_start3A_336 = tpu.memref_slice %arg8[%dma_start3A_334, %dma_start3A_335] : memref<2048x64xf32, #tpu.memory_space<vmem_shared>> -> memref<2048x64xf32, #tpu.memory_space<vmem_shared>>
    %dma_start3A_337 = tpu.memref_slice %arg10[%dma_start3A_329] : memref<10x!tpu.dma_semaphore, #tpu.memory_space<semaphore_mem>> -> memref<1x!tpu.dma_semaphore, #tpu.memory_space<semaphore_mem>>
    %dma_start3A_338 = tpu.memref_squeeze %dma_start3A_337 : memref<1x!tpu.dma_semaphore, #tpu.memory_space<semaphore_mem>> -> memref<!tpu.dma_semaphore, #tpu.memory_space<semaphore_mem>>
    tpu.enqueue_indirect_dma source(%dma_start3A_333 : memref<128x64xf32, #tpu.memory_space<vmem>>) target(%dma_start3A_336 : memref<2048x64xf32, #tpu.memory_space<vmem_shared>>) offsets(%arg7 : memref<128xi32, #tpu.memory_space<vmem>>) semaphore(%dma_start3A_338 : memref<!tpu.dma_semaphore, #tpu.memory_space<semaphore_mem>>) {add = true}
    %dma_wait3A_339 = arith.constant 194 : i32
    %dma_wait3A_340 = arith.constant 4 : i32
    %dma_wait3A_341 = arith.constant 4 : i32
    %dma_wait3A_342 = arith.constant 0 : i32
    %dma_wait3A_343 = arith.constant 0 : i32
    %dma_wait3A_344 = tpu.memref_slice %arg6[%dma_wait3A_340, %dma_wait3A_342, %dma_wait3A_343] : memref<10x128x64xf32, #tpu.memory_space<vmem>> -> memref<1x128x64xf32, #tpu.memory_space<vmem>>
    %dma_wait3A_345 = tpu.memref_squeeze %dma_wait3A_344 : memref<1x128x64xf32, #tpu.memory_space<vmem>> -> memref<128x64xf32, #tpu.memory_space<vmem>>
    %dma_wait3A_346 = arith.constant 0 : i32
    %dma_wait3A_347 = tpu.memref_slice %arg5[%dma_wait3A_339, %dma_wait3A_346] : memref<200x128xi32, #tpu.memory_space<vmem>> -> memref<1x128xi32, #tpu.memory_space<vmem>>
    %dma_wait3A_348 = tpu.memref_squeeze %dma_wait3A_347 : memref<1x128xi32, #tpu.memory_space<vmem>> -> memref<128xi32, #tpu.memory_space<vmem>>
    %dma_wait3A_349 = arith.constant 0 : i32
    %dma_wait3A_350 = arith.constant 0 : i32
    %dma_wait3A_351 = tpu.memref_slice %arg3[%dma_wait3A_349, %dma_wait3A_350] : memref<1000000x64xf32, #tpu.memory_space<hbm>> -> memref<1000000x64xf32, #tpu.memory_space<hbm>>
    %dma_wait3A_352 = tpu.memref_slice %arg9[%dma_wait3A_341] : memref<10x!tpu.dma_semaphore, #tpu.memory_space<semaphore_mem>> -> memref<1x!tpu.dma_semaphore, #tpu.memory_space<semaphore_mem>>
    %dma_wait3A_353 = tpu.memref_squeeze %dma_wait3A_352 : memref<1x!tpu.dma_semaphore, #tpu.memory_space<semaphore_mem>> -> memref<!tpu.dma_semaphore, #tpu.memory_space<semaphore_mem>>
    tpu.wait_indirect_dma semaphore(%dma_wait3A_353 : memref<!tpu.dma_semaphore, #tpu.memory_space<semaphore_mem>>) src(%dma_wait3A_351 : memref<1000000x64xf32, #tpu.memory_space<hbm>>) dst(%dma_wait3A_345 : memref<128x64xf32, #tpu.memory_space<vmem>>)
    %dma_start3A_354 = arith.constant 4 : i32
    %dma_start3A_355 = arith.constant 4 : i32
    %dma_start3A_356 = arith.constant 0 : i32
    %dma_start3A_357 = arith.constant 0 : i32
    %dma_start3A_358 = tpu.memref_slice %arg6[%dma_start3A_354, %dma_start3A_356, %dma_start3A_357] : memref<10x128x64xf32, #tpu.memory_space<vmem>> -> memref<1x128x64xf32, #tpu.memory_space<vmem>>
    %dma_start3A_359 = tpu.memref_squeeze %dma_start3A_358 : memref<1x128x64xf32, #tpu.memory_space<vmem>> -> memref<128x64xf32, #tpu.memory_space<vmem>>
    %dma_start3A_360 = arith.constant 0 : i32
    %dma_start3A_361 = arith.constant 0 : i32
    %dma_start3A_362 = tpu.memref_slice %arg8[%dma_start3A_360, %dma_start3A_361] : memref<2048x64xf32, #tpu.memory_space<vmem_shared>> -> memref<2048x64xf32, #tpu.memory_space<vmem_shared>>
    %dma_start3A_363 = tpu.memref_slice %arg10[%dma_start3A_355] : memref<10x!tpu.dma_semaphore, #tpu.memory_space<semaphore_mem>> -> memref<1x!tpu.dma_semaphore, #tpu.memory_space<semaphore_mem>>
    %dma_start3A_364 = tpu.memref_squeeze %dma_start3A_363 : memref<1x!tpu.dma_semaphore, #tpu.memory_space<semaphore_mem>> -> memref<!tpu.dma_semaphore, #tpu.memory_space<semaphore_mem>>
    tpu.enqueue_indirect_dma source(%dma_start3A_359 : memref<128x64xf32, #tpu.memory_space<vmem>>) target(%dma_start3A_362 : memref<2048x64xf32, #tpu.memory_space<vmem_shared>>) offsets(%arg7 : memref<128xi32, #tpu.memory_space<vmem>>) semaphore(%dma_start3A_364 : memref<!tpu.dma_semaphore, #tpu.memory_space<semaphore_mem>>) {add = true}
    %dma_wait3A_365 = arith.constant 195 : i32
    %dma_wait3A_366 = arith.constant 5 : i32
    %dma_wait3A_367 = arith.constant 5 : i32
    %dma_wait3A_368 = arith.constant 0 : i32
    %dma_wait3A_369 = arith.constant 0 : i32
    %dma_wait3A_370 = tpu.memref_slice %arg6[%dma_wait3A_366, %dma_wait3A_368, %dma_wait3A_369] : memref<10x128x64xf32, #tpu.memory_space<vmem>> -> memref<1x128x64xf32, #tpu.memory_space<vmem>>
    %dma_wait3A_371 = tpu.memref_squeeze %dma_wait3A_370 : memref<1x128x64xf32, #tpu.memory_space<vmem>> -> memref<128x64xf32, #tpu.memory_space<vmem>>
    %dma_wait3A_372 = arith.constant 0 : i32
    %dma_wait3A_373 = tpu.memref_slice %arg5[%dma_wait3A_365, %dma_wait3A_372] : memref<200x128xi32, #tpu.memory_space<vmem>> -> memref<1x128xi32, #tpu.memory_space<vmem>>
    %dma_wait3A_374 = tpu.memref_squeeze %dma_wait3A_373 : memref<1x128xi32, #tpu.memory_space<vmem>> -> memref<128xi32, #tpu.memory_space<vmem>>
    %dma_wait3A_375 = arith.constant 0 : i32
    %dma_wait3A_376 = arith.constant 0 : i32
    %dma_wait3A_377 = tpu.memref_slice %arg3[%dma_wait3A_375, %dma_wait3A_376] : memref<1000000x64xf32, #tpu.memory_space<hbm>> -> memref<1000000x64xf32, #tpu.memory_space<hbm>>
    %dma_wait3A_378 = tpu.memref_slice %arg9[%dma_wait3A_367] : memref<10x!tpu.dma_semaphore, #tpu.memory_space<semaphore_mem>> -> memref<1x!tpu.dma_semaphore, #tpu.memory_space<semaphore_mem>>
    %dma_wait3A_379 = tpu.memref_squeeze %dma_wait3A_378 : memref<1x!tpu.dma_semaphore, #tpu.memory_space<semaphore_mem>> -> memref<!tpu.dma_semaphore, #tpu.memory_space<semaphore_mem>>
    tpu.wait_indirect_dma semaphore(%dma_wait3A_379 : memref<!tpu.dma_semaphore, #tpu.memory_space<semaphore_mem>>) src(%dma_wait3A_377 : memref<1000000x64xf32, #tpu.memory_space<hbm>>) dst(%dma_wait3A_371 : memref<128x64xf32, #tpu.memory_space<vmem>>)
    %dma_start3A_380 = arith.constant 5 : i32
    %dma_start3A_381 = arith.constant 5 : i32
    %dma_start3A_382 = arith.constant 0 : i32
    %dma_start3A_383 = arith.constant 0 : i32
    %dma_start3A_384 = tpu.memref_slice %arg6[%dma_start3A_380, %dma_start3A_382, %dma_start3A_383] : memref<10x128x64xf32, #tpu.memory_space<vmem>> -> memref<1x128x64xf32, #tpu.memory_space<vmem>>
    %dma_start3A_385 = tpu.memref_squeeze %dma_start3A_384 : memref<1x128x64xf32, #tpu.memory_space<vmem>> -> memref<128x64xf32, #tpu.memory_space<vmem>>
    %dma_start3A_386 = arith.constant 0 : i32
    %dma_start3A_387 = arith.constant 0 : i32
    %dma_start3A_388 = tpu.memref_slice %arg8[%dma_start3A_386, %dma_start3A_387] : memref<2048x64xf32, #tpu.memory_space<vmem_shared>> -> memref<2048x64xf32, #tpu.memory_space<vmem_shared>>
    %dma_start3A_389 = tpu.memref_slice %arg10[%dma_start3A_381] : memref<10x!tpu.dma_semaphore, #tpu.memory_space<semaphore_mem>> -> memref<1x!tpu.dma_semaphore, #tpu.memory_space<semaphore_mem>>
    %dma_start3A_390 = tpu.memref_squeeze %dma_start3A_389 : memref<1x!tpu.dma_semaphore, #tpu.memory_space<semaphore_mem>> -> memref<!tpu.dma_semaphore, #tpu.memory_space<semaphore_mem>>
    tpu.enqueue_indirect_dma source(%dma_start3A_385 : memref<128x64xf32, #tpu.memory_space<vmem>>) target(%dma_start3A_388 : memref<2048x64xf32, #tpu.memory_space<vmem_shared>>) offsets(%arg7 : memref<128xi32, #tpu.memory_space<vmem>>) semaphore(%dma_start3A_390 : memref<!tpu.dma_semaphore, #tpu.memory_space<semaphore_mem>>) {add = true}
    %dma_wait3A_391 = arith.constant 196 : i32
    %dma_wait3A_392 = arith.constant 6 : i32
    %dma_wait3A_393 = arith.constant 6 : i32
    %dma_wait3A_394 = arith.constant 0 : i32
    %dma_wait3A_395 = arith.constant 0 : i32
    %dma_wait3A_396 = tpu.memref_slice %arg6[%dma_wait3A_392, %dma_wait3A_394, %dma_wait3A_395] : memref<10x128x64xf32, #tpu.memory_space<vmem>> -> memref<1x128x64xf32, #tpu.memory_space<vmem>>
    %dma_wait3A_397 = tpu.memref_squeeze %dma_wait3A_396 : memref<1x128x64xf32, #tpu.memory_space<vmem>> -> memref<128x64xf32, #tpu.memory_space<vmem>>
    %dma_wait3A_398 = arith.constant 0 : i32
    %dma_wait3A_399 = tpu.memref_slice %arg5[%dma_wait3A_391, %dma_wait3A_398] : memref<200x128xi32, #tpu.memory_space<vmem>> -> memref<1x128xi32, #tpu.memory_space<vmem>>
    %dma_wait3A_400 = tpu.memref_squeeze %dma_wait3A_399 : memref<1x128xi32, #tpu.memory_space<vmem>> -> memref<128xi32, #tpu.memory_space<vmem>>
    %dma_wait3A_401 = arith.constant 0 : i32
    %dma_wait3A_402 = arith.constant 0 : i32
    %dma_wait3A_403 = tpu.memref_slice %arg3[%dma_wait3A_401, %dma_wait3A_402] : memref<1000000x64xf32, #tpu.memory_space<hbm>> -> memref<1000000x64xf32, #tpu.memory_space<hbm>>
    %dma_wait3A_404 = tpu.memref_slice %arg9[%dma_wait3A_393] : memref<10x!tpu.dma_semaphore, #tpu.memory_space<semaphore_mem>> -> memref<1x!tpu.dma_semaphore, #tpu.memory_space<semaphore_mem>>
    %dma_wait3A_405 = tpu.memref_squeeze %dma_wait3A_404 : memref<1x!tpu.dma_semaphore, #tpu.memory_space<semaphore_mem>> -> memref<!tpu.dma_semaphore, #tpu.memory_space<semaphore_mem>>
    tpu.wait_indirect_dma semaphore(%dma_wait3A_405 : memref<!tpu.dma_semaphore, #tpu.memory_space<semaphore_mem>>) src(%dma_wait3A_403 : memref<1000000x64xf32, #tpu.memory_space<hbm>>) dst(%dma_wait3A_397 : memref<128x64xf32, #tpu.memory_space<vmem>>)
    %dma_start3A_406 = arith.constant 6 : i32
    %dma_start3A_407 = arith.constant 6 : i32
    %dma_start3A_408 = arith.constant 0 : i32
    %dma_start3A_409 = arith.constant 0 : i32
    %dma_start3A_410 = tpu.memref_slice %arg6[%dma_start3A_406, %dma_start3A_408, %dma_start3A_409] : memref<10x128x64xf32, #tpu.memory_space<vmem>> -> memref<1x128x64xf32, #tpu.memory_space<vmem>>
    %dma_start3A_411 = tpu.memref_squeeze %dma_start3A_410 : memref<1x128x64xf32, #tpu.memory_space<vmem>> -> memref<128x64xf32, #tpu.memory_space<vmem>>
    %dma_start3A_412 = arith.constant 0 : i32
    %dma_start3A_413 = arith.constant 0 : i32
    %dma_start3A_414 = tpu.memref_slice %arg8[%dma_start3A_412, %dma_start3A_413] : memref<2048x64xf32, #tpu.memory_space<vmem_shared>> -> memref<2048x64xf32, #tpu.memory_space<vmem_shared>>
    %dma_start3A_415 = tpu.memref_slice %arg10[%dma_start3A_407] : memref<10x!tpu.dma_semaphore, #tpu.memory_space<semaphore_mem>> -> memref<1x!tpu.dma_semaphore, #tpu.memory_space<semaphore_mem>>
    %dma_start3A_416 = tpu.memref_squeeze %dma_start3A_415 : memref<1x!tpu.dma_semaphore, #tpu.memory_space<semaphore_mem>> -> memref<!tpu.dma_semaphore, #tpu.memory_space<semaphore_mem>>
    tpu.enqueue_indirect_dma source(%dma_start3A_411 : memref<128x64xf32, #tpu.memory_space<vmem>>) target(%dma_start3A_414 : memref<2048x64xf32, #tpu.memory_space<vmem_shared>>) offsets(%arg7 : memref<128xi32, #tpu.memory_space<vmem>>) semaphore(%dma_start3A_416 : memref<!tpu.dma_semaphore, #tpu.memory_space<semaphore_mem>>) {add = true}
    %dma_wait3A_417 = arith.constant 197 : i32
    %dma_wait3A_418 = arith.constant 7 : i32
    %dma_wait3A_419 = arith.constant 7 : i32
    %dma_wait3A_420 = arith.constant 0 : i32
    %dma_wait3A_421 = arith.constant 0 : i32
    %dma_wait3A_422 = tpu.memref_slice %arg6[%dma_wait3A_418, %dma_wait3A_420, %dma_wait3A_421] : memref<10x128x64xf32, #tpu.memory_space<vmem>> -> memref<1x128x64xf32, #tpu.memory_space<vmem>>
    %dma_wait3A_423 = tpu.memref_squeeze %dma_wait3A_422 : memref<1x128x64xf32, #tpu.memory_space<vmem>> -> memref<128x64xf32, #tpu.memory_space<vmem>>
    %dma_wait3A_424 = arith.constant 0 : i32
    %dma_wait3A_425 = tpu.memref_slice %arg5[%dma_wait3A_417, %dma_wait3A_424] : memref<200x128xi32, #tpu.memory_space<vmem>> -> memref<1x128xi32, #tpu.memory_space<vmem>>
    %dma_wait3A_426 = tpu.memref_squeeze %dma_wait3A_425 : memref<1x128xi32, #tpu.memory_space<vmem>> -> memref<128xi32, #tpu.memory_space<vmem>>
    %dma_wait3A_427 = arith.constant 0 : i32
    %dma_wait3A_428 = arith.constant 0 : i32
    %dma_wait3A_429 = tpu.memref_slice %arg3[%dma_wait3A_427, %dma_wait3A_428] : memref<1000000x64xf32, #tpu.memory_space<hbm>> -> memref<1000000x64xf32, #tpu.memory_space<hbm>>
    %dma_wait3A_430 = tpu.memref_slice %arg9[%dma_wait3A_419] : memref<10x!tpu.dma_semaphore, #tpu.memory_space<semaphore_mem>> -> memref<1x!tpu.dma_semaphore, #tpu.memory_space<semaphore_mem>>
    %dma_wait3A_431 = tpu.memref_squeeze %dma_wait3A_430 : memref<1x!tpu.dma_semaphore, #tpu.memory_space<semaphore_mem>> -> memref<!tpu.dma_semaphore, #tpu.memory_space<semaphore_mem>>
    tpu.wait_indirect_dma semaphore(%dma_wait3A_431 : memref<!tpu.dma_semaphore, #tpu.memory_space<semaphore_mem>>) src(%dma_wait3A_429 : memref<1000000x64xf32, #tpu.memory_space<hbm>>) dst(%dma_wait3A_423 : memref<128x64xf32, #tpu.memory_space<vmem>>)
    %dma_start3A_432 = arith.constant 7 : i32
    %dma_start3A_433 = arith.constant 7 : i32
    %dma_start3A_434 = arith.constant 0 : i32
    %dma_start3A_435 = arith.constant 0 : i32
    %dma_start3A_436 = tpu.memref_slice %arg6[%dma_start3A_432, %dma_start3A_434, %dma_start3A_435] : memref<10x128x64xf32, #tpu.memory_space<vmem>> -> memref<1x128x64xf32, #tpu.memory_space<vmem>>
    %dma_start3A_437 = tpu.memref_squeeze %dma_start3A_436 : memref<1x128x64xf32, #tpu.memory_space<vmem>> -> memref<128x64xf32, #tpu.memory_space<vmem>>
    %dma_start3A_438 = arith.constant 0 : i32
    %dma_start3A_439 = arith.constant 0 : i32
    %dma_start3A_440 = tpu.memref_slice %arg8[%dma_start3A_438, %dma_start3A_439] : memref<2048x64xf32, #tpu.memory_space<vmem_shared>> -> memref<2048x64xf32, #tpu.memory_space<vmem_shared>>
    %dma_start3A_441 = tpu.memref_slice %arg10[%dma_start3A_433] : memref<10x!tpu.dma_semaphore, #tpu.memory_space<semaphore_mem>> -> memref<1x!tpu.dma_semaphore, #tpu.memory_space<semaphore_mem>>
    %dma_start3A_442 = tpu.memref_squeeze %dma_start3A_441 : memref<1x!tpu.dma_semaphore, #tpu.memory_space<semaphore_mem>> -> memref<!tpu.dma_semaphore, #tpu.memory_space<semaphore_mem>>
    tpu.enqueue_indirect_dma source(%dma_start3A_437 : memref<128x64xf32, #tpu.memory_space<vmem>>) target(%dma_start3A_440 : memref<2048x64xf32, #tpu.memory_space<vmem_shared>>) offsets(%arg7 : memref<128xi32, #tpu.memory_space<vmem>>) semaphore(%dma_start3A_442 : memref<!tpu.dma_semaphore, #tpu.memory_space<semaphore_mem>>) {add = true}
    %dma_wait3A_443 = arith.constant 198 : i32
    %dma_wait3A_444 = arith.constant 8 : i32
    %dma_wait3A_445 = arith.constant 8 : i32
    %dma_wait3A_446 = arith.constant 0 : i32
    %dma_wait3A_447 = arith.constant 0 : i32
    %dma_wait3A_448 = tpu.memref_slice %arg6[%dma_wait3A_444, %dma_wait3A_446, %dma_wait3A_447] : memref<10x128x64xf32, #tpu.memory_space<vmem>> -> memref<1x128x64xf32, #tpu.memory_space<vmem>>
    %dma_wait3A_449 = tpu.memref_squeeze %dma_wait3A_448 : memref<1x128x64xf32, #tpu.memory_space<vmem>> -> memref<128x64xf32, #tpu.memory_space<vmem>>
    %dma_wait3A_450 = arith.constant 0 : i32
    %dma_wait3A_451 = tpu.memref_slice %arg5[%dma_wait3A_443, %dma_wait3A_450] : memref<200x128xi32, #tpu.memory_space<vmem>> -> memref<1x128xi32, #tpu.memory_space<vmem>>
    %dma_wait3A_452 = tpu.memref_squeeze %dma_wait3A_451 : memref<1x128xi32, #tpu.memory_space<vmem>> -> memref<128xi32, #tpu.memory_space<vmem>>
    %dma_wait3A_453 = arith.constant 0 : i32
    %dma_wait3A_454 = arith.constant 0 : i32
    %dma_wait3A_455 = tpu.memref_slice %arg3[%dma_wait3A_453, %dma_wait3A_454] : memref<1000000x64xf32, #tpu.memory_space<hbm>> -> memref<1000000x64xf32, #tpu.memory_space<hbm>>
    %dma_wait3A_456 = tpu.memref_slice %arg9[%dma_wait3A_445] : memref<10x!tpu.dma_semaphore, #tpu.memory_space<semaphore_mem>> -> memref<1x!tpu.dma_semaphore, #tpu.memory_space<semaphore_mem>>
    %dma_wait3A_457 = tpu.memref_squeeze %dma_wait3A_456 : memref<1x!tpu.dma_semaphore, #tpu.memory_space<semaphore_mem>> -> memref<!tpu.dma_semaphore, #tpu.memory_space<semaphore_mem>>
    tpu.wait_indirect_dma semaphore(%dma_wait3A_457 : memref<!tpu.dma_semaphore, #tpu.memory_space<semaphore_mem>>) src(%dma_wait3A_455 : memref<1000000x64xf32, #tpu.memory_space<hbm>>) dst(%dma_wait3A_449 : memref<128x64xf32, #tpu.memory_space<vmem>>)
    %dma_start3A_458 = arith.constant 8 : i32
    %dma_start3A_459 = arith.constant 8 : i32
    %dma_start3A_460 = arith.constant 0 : i32
    %dma_start3A_461 = arith.constant 0 : i32
    %dma_start3A_462 = tpu.memref_slice %arg6[%dma_start3A_458, %dma_start3A_460, %dma_start3A_461] : memref<10x128x64xf32, #tpu.memory_space<vmem>> -> memref<1x128x64xf32, #tpu.memory_space<vmem>>
    %dma_start3A_463 = tpu.memref_squeeze %dma_start3A_462 : memref<1x128x64xf32, #tpu.memory_space<vmem>> -> memref<128x64xf32, #tpu.memory_space<vmem>>
    %dma_start3A_464 = arith.constant 0 : i32
    %dma_start3A_465 = arith.constant 0 : i32
    %dma_start3A_466 = tpu.memref_slice %arg8[%dma_start3A_464, %dma_start3A_465] : memref<2048x64xf32, #tpu.memory_space<vmem_shared>> -> memref<2048x64xf32, #tpu.memory_space<vmem_shared>>
    %dma_start3A_467 = tpu.memref_slice %arg10[%dma_start3A_459] : memref<10x!tpu.dma_semaphore, #tpu.memory_space<semaphore_mem>> -> memref<1x!tpu.dma_semaphore, #tpu.memory_space<semaphore_mem>>
    %dma_start3A_468 = tpu.memref_squeeze %dma_start3A_467 : memref<1x!tpu.dma_semaphore, #tpu.memory_space<semaphore_mem>> -> memref<!tpu.dma_semaphore, #tpu.memory_space<semaphore_mem>>
    tpu.enqueue_indirect_dma source(%dma_start3A_463 : memref<128x64xf32, #tpu.memory_space<vmem>>) target(%dma_start3A_466 : memref<2048x64xf32, #tpu.memory_space<vmem_shared>>) offsets(%arg7 : memref<128xi32, #tpu.memory_space<vmem>>) semaphore(%dma_start3A_468 : memref<!tpu.dma_semaphore, #tpu.memory_space<semaphore_mem>>) {add = true}
    %dma_wait3A_469 = arith.constant 199 : i32
    %dma_wait3A_470 = arith.constant 9 : i32
    %dma_wait3A_471 = arith.constant 9 : i32
    %dma_wait3A_472 = arith.constant 0 : i32
    %dma_wait3A_473 = arith.constant 0 : i32
    %dma_wait3A_474 = tpu.memref_slice %arg6[%dma_wait3A_470, %dma_wait3A_472, %dma_wait3A_473] : memref<10x128x64xf32, #tpu.memory_space<vmem>> -> memref<1x128x64xf32, #tpu.memory_space<vmem>>
    %dma_wait3A_475 = tpu.memref_squeeze %dma_wait3A_474 : memref<1x128x64xf32, #tpu.memory_space<vmem>> -> memref<128x64xf32, #tpu.memory_space<vmem>>
    %dma_wait3A_476 = arith.constant 0 : i32
    %dma_wait3A_477 = tpu.memref_slice %arg5[%dma_wait3A_469, %dma_wait3A_476] : memref<200x128xi32, #tpu.memory_space<vmem>> -> memref<1x128xi32, #tpu.memory_space<vmem>>
    %dma_wait3A_478 = tpu.memref_squeeze %dma_wait3A_477 : memref<1x128xi32, #tpu.memory_space<vmem>> -> memref<128xi32, #tpu.memory_space<vmem>>
    %dma_wait3A_479 = arith.constant 0 : i32
    %dma_wait3A_480 = arith.constant 0 : i32
    %dma_wait3A_481 = tpu.memref_slice %arg3[%dma_wait3A_479, %dma_wait3A_480] : memref<1000000x64xf32, #tpu.memory_space<hbm>> -> memref<1000000x64xf32, #tpu.memory_space<hbm>>
    %dma_wait3A_482 = tpu.memref_slice %arg9[%dma_wait3A_471] : memref<10x!tpu.dma_semaphore, #tpu.memory_space<semaphore_mem>> -> memref<1x!tpu.dma_semaphore, #tpu.memory_space<semaphore_mem>>
    %dma_wait3A_483 = tpu.memref_squeeze %dma_wait3A_482 : memref<1x!tpu.dma_semaphore, #tpu.memory_space<semaphore_mem>> -> memref<!tpu.dma_semaphore, #tpu.memory_space<semaphore_mem>>
    tpu.wait_indirect_dma semaphore(%dma_wait3A_483 : memref<!tpu.dma_semaphore, #tpu.memory_space<semaphore_mem>>) src(%dma_wait3A_481 : memref<1000000x64xf32, #tpu.memory_space<hbm>>) dst(%dma_wait3A_475 : memref<128x64xf32, #tpu.memory_space<vmem>>)
    %dma_start3A_484 = arith.constant 9 : i32
    %dma_start3A_485 = arith.constant 9 : i32
    %dma_start3A_486 = arith.constant 0 : i32
    %dma_start3A_487 = arith.constant 0 : i32
    %dma_start3A_488 = tpu.memref_slice %arg6[%dma_start3A_484, %dma_start3A_486, %dma_start3A_487] : memref<10x128x64xf32, #tpu.memory_space<vmem>> -> memref<1x128x64xf32, #tpu.memory_space<vmem>>
    %dma_start3A_489 = tpu.memref_squeeze %dma_start3A_488 : memref<1x128x64xf32, #tpu.memory_space<vmem>> -> memref<128x64xf32, #tpu.memory_space<vmem>>
    %dma_start3A_490 = arith.constant 0 : i32
    %dma_start3A_491 = arith.constant 0 : i32
    %dma_start3A_492 = tpu.memref_slice %arg8[%dma_start3A_490, %dma_start3A_491] : memref<2048x64xf32, #tpu.memory_space<vmem_shared>> -> memref<2048x64xf32, #tpu.memory_space<vmem_shared>>
    %dma_start3A_493 = tpu.memref_slice %arg10[%dma_start3A_485] : memref<10x!tpu.dma_semaphore, #tpu.memory_space<semaphore_mem>> -> memref<1x!tpu.dma_semaphore, #tpu.memory_space<semaphore_mem>>
    %dma_start3A_494 = tpu.memref_squeeze %dma_start3A_493 : memref<1x!tpu.dma_semaphore, #tpu.memory_space<semaphore_mem>> -> memref<!tpu.dma_semaphore, #tpu.memory_space<semaphore_mem>>
    tpu.enqueue_indirect_dma source(%dma_start3A_489 : memref<128x64xf32, #tpu.memory_space<vmem>>) target(%dma_start3A_492 : memref<2048x64xf32, #tpu.memory_space<vmem_shared>>) offsets(%arg7 : memref<128xi32, #tpu.memory_space<vmem>>) semaphore(%dma_start3A_494 : memref<!tpu.dma_semaphore, #tpu.memory_space<semaphore_mem>>) {add = true}
    %dma_wait3A_495 = arith.constant 0 : i32
    %dma_wait3A_496 = arith.constant 0 : i32
    %dma_wait3A_497 = arith.constant 0 : i32
    %dma_wait3A_498 = arith.constant 0 : i32
    %dma_wait3A_499 = tpu.memref_slice %arg6[%dma_wait3A_495, %dma_wait3A_497, %dma_wait3A_498] : memref<10x128x64xf32, #tpu.memory_space<vmem>> -> memref<1x128x64xf32, #tpu.memory_space<vmem>>
    %dma_wait3A_500 = tpu.memref_squeeze %dma_wait3A_499 : memref<1x128x64xf32, #tpu.memory_space<vmem>> -> memref<128x64xf32, #tpu.memory_space<vmem>>
    %dma_wait3A_501 = arith.constant 0 : i32
    %dma_wait3A_502 = arith.constant 0 : i32
    %dma_wait3A_503 = tpu.memref_slice %arg8[%dma_wait3A_501, %dma_wait3A_502] : memref<2048x64xf32, #tpu.memory_space<vmem_shared>> -> memref<2048x64xf32, #tpu.memory_space<vmem_shared>>
    %dma_wait3A_504 = tpu.memref_slice %arg10[%dma_wait3A_496] : memref<10x!tpu.dma_semaphore, #tpu.memory_space<semaphore_mem>> -> memref<1x!tpu.dma_semaphore, #tpu.memory_space<semaphore_mem>>
    %dma_wait3A_505 = tpu.memref_squeeze %dma_wait3A_504 : memref<1x!tpu.dma_semaphore, #tpu.memory_space<semaphore_mem>> -> memref<!tpu.dma_semaphore, #tpu.memory_space<semaphore_mem>>
    tpu.wait_indirect_dma semaphore(%dma_wait3A_505 : memref<!tpu.dma_semaphore, #tpu.memory_space<semaphore_mem>>) src(%dma_wait3A_500 : memref<128x64xf32, #tpu.memory_space<vmem>>) dst(%dma_wait3A_503 : memref<2048x64xf32, #tpu.memory_space<vmem_shared>>)
    %dma_wait3A_506 = arith.constant 1 : i32
    %dma_wait3A_507 = arith.constant 1 : i32
    %dma_wait3A_508 = arith.constant 0 : i32
    %dma_wait3A_509 = arith.constant 0 : i32
    %dma_wait3A_510 = tpu.memref_slice %arg6[%dma_wait3A_506, %dma_wait3A_508, %dma_wait3A_509] : memref<10x128x64xf32, #tpu.memory_space<vmem>> -> memref<1x128x64xf32, #tpu.memory_space<vmem>>
    %dma_wait3A_511 = tpu.memref_squeeze %dma_wait3A_510 : memref<1x128x64xf32, #tpu.memory_space<vmem>> -> memref<128x64xf32, #tpu.memory_space<vmem>>
    %dma_wait3A_512 = arith.constant 0 : i32
    %dma_wait3A_513 = arith.constant 0 : i32
    %dma_wait3A_514 = tpu.memref_slice %arg8[%dma_wait3A_512, %dma_wait3A_513] : memref<2048x64xf32, #tpu.memory_space<vmem_shared>> -> memref<2048x64xf32, #tpu.memory_space<vmem_shared>>
    %dma_wait3A_515 = tpu.memref_slice %arg10[%dma_wait3A_507] : memref<10x!tpu.dma_semaphore, #tpu.memory_space<semaphore_mem>> -> memref<1x!tpu.dma_semaphore, #tpu.memory_space<semaphore_mem>>
    %dma_wait3A_516 = tpu.memref_squeeze %dma_wait3A_515 : memref<1x!tpu.dma_semaphore, #tpu.memory_space<semaphore_mem>> -> memref<!tpu.dma_semaphore, #tpu.memory_space<semaphore_mem>>
    tpu.wait_indirect_dma semaphore(%dma_wait3A_516 : memref<!tpu.dma_semaphore, #tpu.memory_space<semaphore_mem>>) src(%dma_wait3A_511 : memref<128x64xf32, #tpu.memory_space<vmem>>) dst(%dma_wait3A_514 : memref<2048x64xf32, #tpu.memory_space<vmem_shared>>)
    %dma_wait3A_517 = arith.constant 2 : i32
    %dma_wait3A_518 = arith.constant 2 : i32
    %dma_wait3A_519 = arith.constant 0 : i32
    %dma_wait3A_520 = arith.constant 0 : i32
    %dma_wait3A_521 = tpu.memref_slice %arg6[%dma_wait3A_517, %dma_wait3A_519, %dma_wait3A_520] : memref<10x128x64xf32, #tpu.memory_space<vmem>> -> memref<1x128x64xf32, #tpu.memory_space<vmem>>
    %dma_wait3A_522 = tpu.memref_squeeze %dma_wait3A_521 : memref<1x128x64xf32, #tpu.memory_space<vmem>> -> memref<128x64xf32, #tpu.memory_space<vmem>>
    %dma_wait3A_523 = arith.constant 0 : i32
    %dma_wait3A_524 = arith.constant 0 : i32
    %dma_wait3A_525 = tpu.memref_slice %arg8[%dma_wait3A_523, %dma_wait3A_524] : memref<2048x64xf32, #tpu.memory_space<vmem_shared>> -> memref<2048x64xf32, #tpu.memory_space<vmem_shared>>
    %dma_wait3A_526 = tpu.memref_slice %arg10[%dma_wait3A_518] : memref<10x!tpu.dma_semaphore, #tpu.memory_space<semaphore_mem>> -> memref<1x!tpu.dma_semaphore, #tpu.memory_space<semaphore_mem>>
    %dma_wait3A_527 = tpu.memref_squeeze %dma_wait3A_526 : memref<1x!tpu.dma_semaphore, #tpu.memory_space<semaphore_mem>> -> memref<!tpu.dma_semaphore, #tpu.memory_space<semaphore_mem>>
    tpu.wait_indirect_dma semaphore(%dma_wait3A_527 : memref<!tpu.dma_semaphore, #tpu.memory_space<semaphore_mem>>) src(%dma_wait3A_522 : memref<128x64xf32, #tpu.memory_space<vmem>>) dst(%dma_wait3A_525 : memref<2048x64xf32, #tpu.memory_space<vmem_shared>>)
    %dma_wait3A_528 = arith.constant 3 : i32
    %dma_wait3A_529 = arith.constant 3 : i32
    %dma_wait3A_530 = arith.constant 0 : i32
    %dma_wait3A_531 = arith.constant 0 : i32
    %dma_wait3A_532 = tpu.memref_slice %arg6[%dma_wait3A_528, %dma_wait3A_530, %dma_wait3A_531] : memref<10x128x64xf32, #tpu.memory_space<vmem>> -> memref<1x128x64xf32, #tpu.memory_space<vmem>>
    %dma_wait3A_533 = tpu.memref_squeeze %dma_wait3A_532 : memref<1x128x64xf32, #tpu.memory_space<vmem>> -> memref<128x64xf32, #tpu.memory_space<vmem>>
    %dma_wait3A_534 = arith.constant 0 : i32
    %dma_wait3A_535 = arith.constant 0 : i32
    %dma_wait3A_536 = tpu.memref_slice %arg8[%dma_wait3A_534, %dma_wait3A_535] : memref<2048x64xf32, #tpu.memory_space<vmem_shared>> -> memref<2048x64xf32, #tpu.memory_space<vmem_shared>>
    %dma_wait3A_537 = tpu.memref_slice %arg10[%dma_wait3A_529] : memref<10x!tpu.dma_semaphore, #tpu.memory_space<semaphore_mem>> -> memref<1x!tpu.dma_semaphore, #tpu.memory_space<semaphore_mem>>
    %dma_wait3A_538 = tpu.memref_squeeze %dma_wait3A_537 : memref<1x!tpu.dma_semaphore, #tpu.memory_space<semaphore_mem>> -> memref<!tpu.dma_semaphore, #tpu.memory_space<semaphore_mem>>
    tpu.wait_indirect_dma semaphore(%dma_wait3A_538 : memref<!tpu.dma_semaphore, #tpu.memory_space<semaphore_mem>>) src(%dma_wait3A_533 : memref<128x64xf32, #tpu.memory_space<vmem>>) dst(%dma_wait3A_536 : memref<2048x64xf32, #tpu.memory_space<vmem_shared>>)
    %dma_wait3A_539 = arith.constant 4 : i32
    %dma_wait3A_540 = arith.constant 4 : i32
    %dma_wait3A_541 = arith.constant 0 : i32
    %dma_wait3A_542 = arith.constant 0 : i32
    %dma_wait3A_543 = tpu.memref_slice %arg6[%dma_wait3A_539, %dma_wait3A_541, %dma_wait3A_542] : memref<10x128x64xf32, #tpu.memory_space<vmem>> -> memref<1x128x64xf32, #tpu.memory_space<vmem>>
    %dma_wait3A_544 = tpu.memref_squeeze %dma_wait3A_543 : memref<1x128x64xf32, #tpu.memory_space<vmem>> -> memref<128x64xf32, #tpu.memory_space<vmem>>
    %dma_wait3A_545 = arith.constant 0 : i32
    %dma_wait3A_546 = arith.constant 0 : i32
    %dma_wait3A_547 = tpu.memref_slice %arg8[%dma_wait3A_545, %dma_wait3A_546] : memref<2048x64xf32, #tpu.memory_space<vmem_shared>> -> memref<2048x64xf32, #tpu.memory_space<vmem_shared>>
    %dma_wait3A_548 = tpu.memref_slice %arg10[%dma_wait3A_540] : memref<10x!tpu.dma_semaphore, #tpu.memory_space<semaphore_mem>> -> memref<1x!tpu.dma_semaphore, #tpu.memory_space<semaphore_mem>>
    %dma_wait3A_549 = tpu.memref_squeeze %dma_wait3A_548 : memref<1x!tpu.dma_semaphore, #tpu.memory_space<semaphore_mem>> -> memref<!tpu.dma_semaphore, #tpu.memory_space<semaphore_mem>>
    tpu.wait_indirect_dma semaphore(%dma_wait3A_549 : memref<!tpu.dma_semaphore, #tpu.memory_space<semaphore_mem>>) src(%dma_wait3A_544 : memref<128x64xf32, #tpu.memory_space<vmem>>) dst(%dma_wait3A_547 : memref<2048x64xf32, #tpu.memory_space<vmem_shared>>)
    %dma_wait3A_550 = arith.constant 5 : i32
    %dma_wait3A_551 = arith.constant 5 : i32
    %dma_wait3A_552 = arith.constant 0 : i32
    %dma_wait3A_553 = arith.constant 0 : i32
    %dma_wait3A_554 = tpu.memref_slice %arg6[%dma_wait3A_550, %dma_wait3A_552, %dma_wait3A_553] : memref<10x128x64xf32, #tpu.memory_space<vmem>> -> memref<1x128x64xf32, #tpu.memory_space<vmem>>
    %dma_wait3A_555 = tpu.memref_squeeze %dma_wait3A_554 : memref<1x128x64xf32, #tpu.memory_space<vmem>> -> memref<128x64xf32, #tpu.memory_space<vmem>>
    %dma_wait3A_556 = arith.constant 0 : i32
    %dma_wait3A_557 = arith.constant 0 : i32
    %dma_wait3A_558 = tpu.memref_slice %arg8[%dma_wait3A_556, %dma_wait3A_557] : memref<2048x64xf32, #tpu.memory_space<vmem_shared>> -> memref<2048x64xf32, #tpu.memory_space<vmem_shared>>
    %dma_wait3A_559 = tpu.memref_slice %arg10[%dma_wait3A_551] : memref<10x!tpu.dma_semaphore, #tpu.memory_space<semaphore_mem>> -> memref<1x!tpu.dma_semaphore, #tpu.memory_space<semaphore_mem>>
    %dma_wait3A_560 = tpu.memref_squeeze %dma_wait3A_559 : memref<1x!tpu.dma_semaphore, #tpu.memory_space<semaphore_mem>> -> memref<!tpu.dma_semaphore, #tpu.memory_space<semaphore_mem>>
    tpu.wait_indirect_dma semaphore(%dma_wait3A_560 : memref<!tpu.dma_semaphore, #tpu.memory_space<semaphore_mem>>) src(%dma_wait3A_555 : memref<128x64xf32, #tpu.memory_space<vmem>>) dst(%dma_wait3A_558 : memref<2048x64xf32, #tpu.memory_space<vmem_shared>>)
    %dma_wait3A_561 = arith.constant 6 : i32
    %dma_wait3A_562 = arith.constant 6 : i32
    %dma_wait3A_563 = arith.constant 0 : i32
    %dma_wait3A_564 = arith.constant 0 : i32
    %dma_wait3A_565 = tpu.memref_slice %arg6[%dma_wait3A_561, %dma_wait3A_563, %dma_wait3A_564] : memref<10x128x64xf32, #tpu.memory_space<vmem>> -> memref<1x128x64xf32, #tpu.memory_space<vmem>>
    %dma_wait3A_566 = tpu.memref_squeeze %dma_wait3A_565 : memref<1x128x64xf32, #tpu.memory_space<vmem>> -> memref<128x64xf32, #tpu.memory_space<vmem>>
    %dma_wait3A_567 = arith.constant 0 : i32
    %dma_wait3A_568 = arith.constant 0 : i32
    %dma_wait3A_569 = tpu.memref_slice %arg8[%dma_wait3A_567, %dma_wait3A_568] : memref<2048x64xf32, #tpu.memory_space<vmem_shared>> -> memref<2048x64xf32, #tpu.memory_space<vmem_shared>>
    %dma_wait3A_570 = tpu.memref_slice %arg10[%dma_wait3A_562] : memref<10x!tpu.dma_semaphore, #tpu.memory_space<semaphore_mem>> -> memref<1x!tpu.dma_semaphore, #tpu.memory_space<semaphore_mem>>
    %dma_wait3A_571 = tpu.memref_squeeze %dma_wait3A_570 : memref<1x!tpu.dma_semaphore, #tpu.memory_space<semaphore_mem>> -> memref<!tpu.dma_semaphore, #tpu.memory_space<semaphore_mem>>
    tpu.wait_indirect_dma semaphore(%dma_wait3A_571 : memref<!tpu.dma_semaphore, #tpu.memory_space<semaphore_mem>>) src(%dma_wait3A_566 : memref<128x64xf32, #tpu.memory_space<vmem>>) dst(%dma_wait3A_569 : memref<2048x64xf32, #tpu.memory_space<vmem_shared>>)
    %dma_wait3A_572 = arith.constant 7 : i32
    %dma_wait3A_573 = arith.constant 7 : i32
    %dma_wait3A_574 = arith.constant 0 : i32
    %dma_wait3A_575 = arith.constant 0 : i32
    %dma_wait3A_576 = tpu.memref_slice %arg6[%dma_wait3A_572, %dma_wait3A_574, %dma_wait3A_575] : memref<10x128x64xf32, #tpu.memory_space<vmem>> -> memref<1x128x64xf32, #tpu.memory_space<vmem>>
    %dma_wait3A_577 = tpu.memref_squeeze %dma_wait3A_576 : memref<1x128x64xf32, #tpu.memory_space<vmem>> -> memref<128x64xf32, #tpu.memory_space<vmem>>
    %dma_wait3A_578 = arith.constant 0 : i32
    %dma_wait3A_579 = arith.constant 0 : i32
    %dma_wait3A_580 = tpu.memref_slice %arg8[%dma_wait3A_578, %dma_wait3A_579] : memref<2048x64xf32, #tpu.memory_space<vmem_shared>> -> memref<2048x64xf32, #tpu.memory_space<vmem_shared>>
    %dma_wait3A_581 = tpu.memref_slice %arg10[%dma_wait3A_573] : memref<10x!tpu.dma_semaphore, #tpu.memory_space<semaphore_mem>> -> memref<1x!tpu.dma_semaphore, #tpu.memory_space<semaphore_mem>>
    %dma_wait3A_582 = tpu.memref_squeeze %dma_wait3A_581 : memref<1x!tpu.dma_semaphore, #tpu.memory_space<semaphore_mem>> -> memref<!tpu.dma_semaphore, #tpu.memory_space<semaphore_mem>>
    tpu.wait_indirect_dma semaphore(%dma_wait3A_582 : memref<!tpu.dma_semaphore, #tpu.memory_space<semaphore_mem>>) src(%dma_wait3A_577 : memref<128x64xf32, #tpu.memory_space<vmem>>) dst(%dma_wait3A_580 : memref<2048x64xf32, #tpu.memory_space<vmem_shared>>)
    %dma_wait3A_583 = arith.constant 8 : i32
    %dma_wait3A_584 = arith.constant 8 : i32
    %dma_wait3A_585 = arith.constant 0 : i32
    %dma_wait3A_586 = arith.constant 0 : i32
    %dma_wait3A_587 = tpu.memref_slice %arg6[%dma_wait3A_583, %dma_wait3A_585, %dma_wait3A_586] : memref<10x128x64xf32, #tpu.memory_space<vmem>> -> memref<1x128x64xf32, #tpu.memory_space<vmem>>
    %dma_wait3A_588 = tpu.memref_squeeze %dma_wait3A_587 : memref<1x128x64xf32, #tpu.memory_space<vmem>> -> memref<128x64xf32, #tpu.memory_space<vmem>>
    %dma_wait3A_589 = arith.constant 0 : i32
    %dma_wait3A_590 = arith.constant 0 : i32
    %dma_wait3A_591 = tpu.memref_slice %arg8[%dma_wait3A_589, %dma_wait3A_590] : memref<2048x64xf32, #tpu.memory_space<vmem_shared>> -> memref<2048x64xf32, #tpu.memory_space<vmem_shared>>
    %dma_wait3A_592 = tpu.memref_slice %arg10[%dma_wait3A_584] : memref<10x!tpu.dma_semaphore, #tpu.memory_space<semaphore_mem>> -> memref<1x!tpu.dma_semaphore, #tpu.memory_space<semaphore_mem>>
    %dma_wait3A_593 = tpu.memref_squeeze %dma_wait3A_592 : memref<1x!tpu.dma_semaphore, #tpu.memory_space<semaphore_mem>> -> memref<!tpu.dma_semaphore, #tpu.memory_space<semaphore_mem>>
    tpu.wait_indirect_dma semaphore(%dma_wait3A_593 : memref<!tpu.dma_semaphore, #tpu.memory_space<semaphore_mem>>) src(%dma_wait3A_588 : memref<128x64xf32, #tpu.memory_space<vmem>>) dst(%dma_wait3A_591 : memref<2048x64xf32, #tpu.memory_space<vmem_shared>>)
    %dma_wait3A_594 = arith.constant 9 : i32
    %dma_wait3A_595 = arith.constant 9 : i32
    %dma_wait3A_596 = arith.constant 0 : i32
    %dma_wait3A_597 = arith.constant 0 : i32
    %dma_wait3A_598 = tpu.memref_slice %arg6[%dma_wait3A_594, %dma_wait3A_596, %dma_wait3A_597] : memref<10x128x64xf32, #tpu.memory_space<vmem>> -> memref<1x128x64xf32, #tpu.memory_space<vmem>>
    %dma_wait3A_599 = tpu.memref_squeeze %dma_wait3A_598 : memref<1x128x64xf32, #tpu.memory_space<vmem>> -> memref<128x64xf32, #tpu.memory_space<vmem>>
    %dma_wait3A_600 = arith.constant 0 : i32
    %dma_wait3A_601 = arith.constant 0 : i32
    %dma_wait3A_602 = tpu.memref_slice %arg8[%dma_wait3A_600, %dma_wait3A_601] : memref<2048x64xf32, #tpu.memory_space<vmem_shared>> -> memref<2048x64xf32, #tpu.memory_space<vmem_shared>>
    %dma_wait3A_603 = tpu.memref_slice %arg10[%dma_wait3A_595] : memref<10x!tpu.dma_semaphore, #tpu.memory_space<semaphore_mem>> -> memref<1x!tpu.dma_semaphore, #tpu.memory_space<semaphore_mem>>
    %dma_wait3A_604 = tpu.memref_squeeze %dma_wait3A_603 : memref<1x!tpu.dma_semaphore, #tpu.memory_space<semaphore_mem>> -> memref<!tpu.dma_semaphore, #tpu.memory_space<semaphore_mem>>
    tpu.wait_indirect_dma semaphore(%dma_wait3A_604 : memref<!tpu.dma_semaphore, #tpu.memory_space<semaphore_mem>>) src(%dma_wait3A_599 : memref<128x64xf32, #tpu.memory_space<vmem>>) dst(%dma_wait3A_602 : memref<2048x64xf32, #tpu.memory_space<vmem_shared>>)
    "tpu.region"() ({
      %run_scoped3A_605 = tpu.sem_alloc : memref<!tpu.dma_semaphore, #tpu.memory_space<semaphore_mem>>
      %dma_start3A_606 = arith.constant 0 : i32
      %dma_start3A_607 = tpu.memref_slice %arg4[%mul3A_2, %dma_start3A_606] : memref<4096x64xf32, #tpu.memory_space<hbm>> -> memref<128x64xf32, #tpu.memory_space<hbm>>
      %dma_start3A_608 = arith.constant 0 : i32
      %dma_start3A_609 = tpu.memref_slice %arg8[%mul3A_4, %dma_start3A_608] : memref<2048x64xf32, #tpu.memory_space<vmem_shared>> -> memref<128x64xf32, #tpu.memory_space<vmem_shared>>
      tpu.enqueue_dma source(%dma_start3A_609 : memref<128x64xf32, #tpu.memory_space<vmem_shared>>) target(%dma_start3A_607 : memref<128x64xf32, #tpu.memory_space<hbm>>) target_semaphore(%run_scoped3A_605 : memref<!tpu.dma_semaphore, #tpu.memory_space<semaphore_mem>>)
      %dma_wait3A_610 = arith.constant 0 : i32
      %dma_wait3A_611 = tpu.memref_slice %arg4[%mul3A_2, %dma_wait3A_610] : memref<4096x64xf32, #tpu.memory_space<hbm>> -> memref<128x64xf32, #tpu.memory_space<hbm>>
      %dma_wait3A_612 = arith.constant 0 : i32
      %dma_wait3A_613 = tpu.memref_slice %arg8[%mul3A_4, %dma_wait3A_612] : memref<2048x64xf32, #tpu.memory_space<vmem_shared>> -> memref<128x64xf32, #tpu.memory_space<vmem_shared>>
      tpu.wait_dma2 semaphore(%run_scoped3A_605 : memref<!tpu.dma_semaphore, #tpu.memory_space<semaphore_mem>>) src(%dma_wait3A_613 : memref<128x64xf32, #tpu.memory_space<vmem_shared>>) dst(%dma_wait3A_611 : memref<128x64xf32, #tpu.memory_space<hbm>>)
      tpu.yield
    }) : () -> ()
    return
  }
}

module attributes {stable_mosaic.version = 14 : i64} {
  func.func @body(%arg0: memref<4096x64xf32, #tpu.memory_space<vmem>>, %arg1: memref<64x64xf32, #tpu.memory_space<vmem>>, %arg2: memref<64xf32, #tpu.memory_space<vmem>>, %arg3: memref<64xf32, #tpu.memory_space<vmem>>, %arg4: memref<1x1xf32, #tpu.memory_space<vmem>>, %arg5: memref<4096x1xf32, #tpu.memory_space<vmem>>) attributes {dimension_semantics = [], scalar_prefetch = 0 : i64, scratch_operands = 0 : i64, tpu.core_type = #tpu.core_type<tc>} {
    %get3A = arith.constant 0 : index
    %get3A_0 = arith.constant 0 : index
    %get3A_1 = vector.load %arg0[%get3A, %get3A_0] : memref<4096x64xf32, #tpu.memory_space<vmem>>, vector<4096x64xf32>
    %mul3A = arith.constant 5.000000e-03 : f32
    %mul3A_2 = vector.broadcast %mul3A : f32 to vector<4096x64xf32>
    %mul3A_3 = arith.mulf %get3A_1, %mul3A_2 : vector<4096x64xf32>
    %get3A_4 = arith.constant 0 : index
    %get3A_5 = arith.constant 0 : index
    %get3A_6 = vector.load %arg1[%get3A_4, %get3A_5] : memref<64x64xf32, #tpu.memory_space<vmem>>, vector<64x64xf32>
    %dot_general3A = arith.constant dense<0.000000e+00> : vector<4096x64xf32>
    %dot_general3A_7 = tpu.matmul %mul3A_3, %get3A_6, %dot_general3A {dimension_numbers = #tpu.dot_dimension_numbers<[1], [0], [0], [1], [0, 0, 1, 1], [], []>, transpose_lhs_hint = false} : vector<4096x64xf32>, vector<64x64xf32>, vector<4096x64xf32> -> vector<4096x64xf32>
    %get3A_8 = arith.constant 0 : index
    %get3A_9 = vector.load %arg2[%get3A_8] : memref<64xf32, #tpu.memory_space<vmem>>, vector<64xf32>
    %broadcast_in_dim3A = vector.shape_cast %get3A_9 : vector<64xf32> to vector<1x64xf32>
    %add3A = vector.broadcast %broadcast_in_dim3A : vector<1x64xf32> to vector<4096x64xf32>
    %add3A_10 = arith.addf %dot_general3A_7, %add3A : vector<4096x64xf32>
    %max3A = arith.constant 0.000000e+00 : f32
    %max3A_11 = vector.broadcast %max3A : f32 to vector<4096x64xf32>
    %max3A_12 = arith.maximumf %add3A_10, %max3A_11 : vector<4096x64xf32>
    %get3A_13 = arith.constant 0 : index
    %get3A_14 = vector.load %arg3[%get3A_13] : memref<64xf32, #tpu.memory_space<vmem>>, vector<64xf32>
    %broadcast_in_dim3A_15 = vector.shape_cast %get3A_14 : vector<64xf32> to vector<1x64xf32>
    %mul3A_16 = vector.broadcast %broadcast_in_dim3A_15 : vector<1x64xf32> to vector<4096x64xf32>
    %mul3A_17 = arith.mulf %max3A_12, %mul3A_16 : vector<4096x64xf32>
    %reduce_sum3A = arith.constant dense<0.000000e+00> : vector<4096xf32>
    %reduce_sum3A_18 = vector.multi_reduction <add>, %mul3A_17, %reduce_sum3A [1] : vector<4096x64xf32> to vector<4096xf32>
    %get3A_19 = arith.constant 0 : index
    %get3A_20 = arith.constant 0 : index
    %get3A_21 = vector.load %arg4[%get3A_19, %get3A_20] : memref<1x1xf32, #tpu.memory_space<vmem>>, vector<1x1xf32>
    %get3A_22 = vector.extract %get3A_21[0, 0] : f32 from vector<1x1xf32>
    %add3A_23 = vector.broadcast %get3A_22 : f32 to vector<4096xf32>
    %add3A_24 = arith.addf %reduce_sum3A_18, %add3A_23 : vector<4096xf32>
    %neg3A = arith.constant 0.000000e+00 : f32
    %neg3A_25 = vector.broadcast %neg3A : f32 to vector<4096xf32>
    %neg3A_26 = arith.subf %neg3A_25, %add3A_24 : vector<4096xf32>
    %exp3A = math.exp %neg3A_26 : vector<4096xf32>
    %add3A_27 = arith.constant 1.000000e+00 : f32
    %add3A_28 = vector.broadcast %add3A_27 : f32 to vector<4096xf32>
    %add3A_29 = arith.addf %add3A_28, %exp3A : vector<4096xf32>
    %div3A = arith.constant 1.000000e+00 : f32
    %div3A_30 = vector.broadcast %div3A : f32 to vector<4096xf32>
    %div3A_31 = arith.divf %div3A_30, %add3A_29 : vector<4096xf32>
    %broadcast_in_dim3A_32 = vector.shape_cast %div3A_31 : vector<4096xf32> to vector<4096x1xf32>
    %swap3A = arith.constant 0 : index
    %swap3A_33 = arith.constant 0 : index
    %swap3A_34 = vector.load %arg5[%swap3A, %swap3A_33] : memref<4096x1xf32, #tpu.memory_space<vmem>>, vector<4096x1xf32>
    tpu.vector_store %arg5[%swap3A, %swap3A_33], %broadcast_in_dim3A_32 {strides = array<i32>} : memref<4096x1xf32, #tpu.memory_space<vmem>>, vector<4096x1xf32>,
    return
  }
}

</mosaic_0001>

<sc_bundles>
// kernel: kernel.4.cloned.1.call-start
scs
__scs_entry_jumppad:
0x0: {  	(pc) =	sbr.rel $0x88, $3  }
0x1: {  	(tag) =	ssettag $0x0;
	lr =	simm.s32 $0x1  }
0x2: {  	[smem:$0x3F9B] =	sst lr;
	_ =	strace $0xD0000000  }
0x3: {  	_ = 	snop  }
0x4: {  	_ = 	snop  }
0x5: {  	_ = 	snop  }
0x6: {  	_ = 	snop  }
0x7: {  	_ = 	snop  }
__scs_overlays_trampoline_lowered:
0x8: {  	[smem:$0x3FAA] =	sst s0  }
0x9: {  	[smem:$0x3FAB] =	sst s1  }
0xa: {  	[smem:$0x3FAC] =	sst s2  }
0xb: {  	[smem:$0x3FAD] =	sst s3  }
0xc: {  	[smem:$0x3FAE] =	sst s4  }
0xd: {  	[smem:$0x3FAF] =	sst s5  }
0xe: {  	[smem:$0x3FB0] =	sst s6  }
0xf: {  	[smem:$0x3FB1] =	sst s7  }
0x10: {  	[smem:$0x3FB2] =	sst s8  }
0x11: {  	[smem:$0x3FB3] =	sst s9;
	s0 =	simm.s32 @!p0 $0x0  }
0x12: {  	s1 =	sld [smem:$0x3F99];
	s0 =	simm.s32 @p0 $0x1  }
0x13: {  	[smem:$0x3FB4] =	sst s0;
	s0 =	simm.s32 @!p1 $0x0  }
0x14: {  	s2 =	sld [smem:$0x3F98];
	s0 =	simm.s32 @p1 $0x1  }
0x15: {  	[smem:$0x3FB5] =	sst s0;
	s0 =	simm.s32 @!p2 $0x0  }
0x16: {  	s3 =	sld [smem:$0x3FDB];
	s0 =	simm.s32 @p2 $0x1  }
0x17: {  	s4 =	simm.s32 $0x1BF5;
	[smem:$0x3FB7] =	sst s0  }
0x18: {  	s0 =	sld [smem:$0x3F9A];
	_ =	swait.ge [sflag:s4], $0x0  }
0x19: {  	s7 =	sld [smem:$0x3F9B]  }
0x1a: {  	s8 =	sadd.s32 $0xFFFFE003, lr  }
0x1b: {  	s9 =	sadd.s32 $0xFFFFFEF7, lr;
	s5 =	simm.s32 $0xFFFFFFFF;
	p2 =	slt.u32 s8, $0xFFFFF086  }
0x1c: {  	p1 =	slt.u32 s9, $0xF7A;
	s5 =	simm.s32 @!p2 $0x0  }
0x1d: {  	s5 =	simm.s32 @p1 $0x1;
	p0 =	seq.s32 s7, s2  }
0x1e: {  	s7 =	smul.u32 @!p0 $0xF7A, s2;
	p2 =	seq.s32 @!p0 s5, $0x0  }
0x1f: {  	s9 =	smul.u32 $0xF7A, s1;
	s8 =	simm.s32 @!p0 $0x1BF5;
	p2 =	por !p2, p0  }
0x20: {  	[sflag:s8] =	ssyncset.s32 @!p0 $0xFFFFF086;
	s6 =	sadd.s32 @!p0 s3, s7;
	s7 =	simm.s32 @!p0 $0x108  }
0x21: {  	s3 =	sadd.s32 s3, s9;
	s6 =	sadd.s32 @!p0 $0x88, s6;
	s7 =	simm.s32 @p2 $0x1082  }
0x22: {  	[simem:s7], [sflag:s8] =	dma.local @!p0 [hbm:s6], $0xF7A  }
0x23: {  	s9 =	sor.u32 $0xD0000000, s2;
	s6 =	simm.s32 $0x108;
	_ =	swait.ge @!p0 [sflag:s8], $0x0  }
0x24: {  	s3 =	sadd.s32 $0x88, s3;
	s6 =	simm.s32 @!p1 $0x1082;
	[sflag:s4] =	ssyncset.s32 $0xFFFFF086  }
0x25: {  	[simem:s6], [sflag:s4] =	dma.local [hbm:s3], $0xF7A  }
0x26: {  	[smem:$0x3F9B] =	sst s1;
	(tag) =	ssettag s2;
	_ =	strace s9  }
0x27: {  	s1 =	sld [smem:$0x3FAB]  }
0x28: {  	s2 =	sld [smem:$0x3FAC]  }
0x29: {  	s4 =	sld [smem:$0x3FAE]  }
0x2a: {  	p0 =	seq.s32 s5, $0x0;
	s5 =	sld [smem:$0x3FAF]  }
0x2b: {  	s6 =	sld [smem:$0x3FB0]  }
0x2c: {  	s7 =	sld [smem:$0x3FB1]  }
0x2d: {  	s3 =	simm.s32 $0x108;
	s8 =	sld [smem:$0x3FB2]  }
0x2e: {  	s3 =	simm.s32 @!p0 $0x1082;
	s9 =	sld [smem:$0x3FB3]  }
0x2f: {  	lr =	sadd.s32 s0, s3;
	s0 =	sld [smem:$0x3FAA]  }
0x30: {  	s3 =	sld [smem:$0x3FAD]  }
0x31: {  	[smem:$0x3FB6] =	sst s10  }
0x32: {  	s10 =	sld [smem:$0x3FB4];
	_ =	sdelay $0x3  }
0x33: {  	p0 =	seq.s32 s10, $0x1;
	s10 =	sld [smem:$0x3FB6];
	_ =	sdelay $0x3  }
0x34: {  	[smem:$0x3FB6] =	sst s10  }
0x35: {  	s10 =	sld [smem:$0x3FB5];
	_ =	sdelay $0x3  }
0x36: {  	p1 =	seq.s32 s10, $0x1;
	s10 =	sld [smem:$0x3FB6];
	_ =	sdelay $0x3  }
0x37: {  	[smem:$0x3FB6] =	sst s10  }
0x38: {  	s10 =	sld [smem:$0x3FB7]  }
0x39: {  	_ = 	snop;
	(pc) =	sbr.ind lr, $3  }
0x3a: {  	_ = 	snop  }
0x3b: {  	_ = 	snop  }
0x3c: {  	p2 =	seq.s32 s10, $0x1;
	s10 =	sld [smem:$0x3FB6]  }
0x3d: {  	_ =	shalt  }
0x3e: {  	_ =	shalt  }
0x3f: {  	_ =	shalt  }
0x40: {  	_ =	shalt  }
0x41: {  	_ =	shalt  }
0x42: {  	_ =	shalt  }
0x43: {  	_ =	shalt  }
0x44: {  	_ =	shalt  }
0x45: {  	_ =	shalt  }
0x46: {  	_ =	shalt  }
0x47: {  	_ =	shalt  }
0x48: {  	_ =	shalt  }
0x49: {  	_ =	shalt  }
0x4a: {  	_ =	shalt  }
0x4b: {  	_ =	shalt  }
0x4c: {  	_ =	shalt  }
0x4d: {  	_ =	shalt  }
0x4e: {  	_ =	shalt  }
0x4f: {  	_ =	shalt  }
0x50: {  	_ =	shalt  }
0x51: {  	_ =	shalt  }
0x52: {  	_ =	shalt  }
0x53: {  	_ =	shalt  }
0x54: {  	_ =	shalt  }
0x55: {  	_ =	shalt  }
0x56: {  	_ =	shalt  }
0x57: {  	_ =	shalt  }
0x58: {  	_ =	shalt  }
0x59: {  	_ =	shalt  }
0x5a: {  	_ =	shalt  }
0x5b: {  	_ =	shalt  }
0x5c: {  	_ =	shalt  }
0x5d: {  	_ =	shalt  }
0x5e: {  	_ =	shalt  }
0x5f: {  	_ =	shalt  }
0x60: {  	_ =	shalt  }
0x61: {  	_ =	shalt  }
0x62: {  	_ =	shalt  }
0x63: {  	_ =	shalt  }
0x64: {  	_ =	shalt  }
0x65: {  	_ =	shalt  }
0x66: {  	_ =	shalt  }
0x67: {  	_ =	shalt  }
0x68: {  	_ =	shalt  }
0x69: {  	_ =	shalt  }
0x6a: {  	_ =	shalt  }
0x6b: {  	_ =	shalt  }
0x6c: {  	_ =	shalt  }
0x6d: {  	_ =	shalt  }
0x6e: {  	_ =	shalt  }
0x6f: {  	_ =	shalt  }
0x70: {  	_ =	shalt  }
0x71: {  	_ =	shalt  }
0x72: {  	_ =	shalt  }
0x73: {  	_ =	shalt  }
0x74: {  	_ =	shalt  }
0x75: {  	_ =	shalt  }
0x76: {  	_ =	shalt  }
0x77: {  	_ =	shalt  }
0x78: {  	_ =	shalt  }
0x79: {  	_ =	shalt  }
0x7a: {  	_ =	shalt  }
0x7b: {  	_ =	shalt  }
0x7c: {  	_ =	shalt  }
0x7d: {  	_ =	shalt  }
0x7e: {  	_ =	shalt  }
0x7f: {  	_ =	shalt  }
0x80: {  	_ =	shalt  }
0x81: {  	_ =	shalt  }
0x82: {  	_ =	shalt  }
0x83: {  	_ =	shalt  }
0x84: {  	_ =	shalt  }
0x85: {  	_ =	shalt  }
0x86: {  	_ =	shalt  }
0x87: {  	_ =	shalt  }
.Lfunc_end0:
.L_simem_size_0:
called_computation_lowered:
.L_overlay_start_0:
0x88: {  	s2 =	sld [smem:$0x3FD9]  }
0x89: {  	s3 =	sld [smem:$0x3FFE];
	_ =	sdelay $0x1  }
0x8a: {  	s1 =	srdreg.scid  }
0x8b: {  	s0 =	sand.u32 $0x1, s1  }
0x8c: {  	s16 =	sshll.u32 s0, $0xA;
	s2 =	sadd.s32 s3, s2  }
0x8d: {  	s2 =	sadd.s32 s2, s16  }
0x8e: {  	[smem:$0x3FC2] =	sst s2  }
0x8f: {  	_ = 	snop  }
0x90: {  	(tm) =	ssettm $0x1  }
0x91: {  	s17 =	sld [smem:$0x3FFB];
	_ =	sdelay $0x3  }
0x92: {  	_ =	strace s17  }
0x93: {  	s2 =	sld [smem:$0x3FFC];
	_ =	sdelay $0x3  }
0x94: {  	_ =	strace s2  }
0x95: {  	s2 =	sld [smem:$0x3FFD];
	_ =	sdelay $0x3  }
0x96: {  	_ =	strace s2  }
0x97: {  	_ =	strace $0x8FFFFFFF  }
0x98: {  	s18 =	sld [smem:$0x3FDB];
	_ =	sdelay $0x1  }
0x99: {  	s19 =	simm.s32 $_scs_section_size  }
0x9a: {  	s4 =	simm.s32 $_size__tile_overlayer_lowered;
	s5 =	simm.s32 $_tile_overlayer_lowered  }
0x9b: {  	s22 =	simm.s32 $0x1BFF;
	s21 =	sshll.u32 s5, $0x1;
	s2 =	sadd.s32 s19, s18  }
0x9c: {  	s6 =	simm.s32 $0x0;
	s20 =	sshll.u32 s4, $0x1;
	s4 =	sadd.s32 s21, s2  }
0x9d: {  	[timem:s6], [sflag:s22] =	dma.local [hbm:s4], s20  }
0x9e: {  	_ =	swait.ge [sflag:s22], s20  }
0x9f: {  	s3 =	ssub.s32 $0x0, s20;
	[sflag:s22] =	ssyncset.done $0x0  }
0xa0: {  	[sflag:s22] =	ssyncadd.s32 s3;
	_ =	sdelay $0x1  }
0xa1: {  	s23 =	simm.s32 $0x1B8B  }
0xa2: {  	_ =	swait.ge [sflag:s23], $0x1  }
0xa3: {  	[sflag:s23] =	ssyncset.done $0x0  }
0xa4: {  	s25 =	simm.s32 $0x1B8E;
	s24 =	sld [smem:$0x3FFE];
	[sflag:s23] =	ssyncadd.s32 $0xFFFFFFFF  }
0xa5: {  	s26 =	simm.s32 $execute0_lowered;
	[smem:$0x3FD2] =	sst s25  }
0xa6: {  	s4 =	sshll.u32 s26, $0x1;
	_ =	strace $0x80000046;
	[dreg:$0x1] =	wrdreg $0xFFFFFFFF  }
0xa7: {  	s28 =	simm.s32 $_size_execute0_lowered;
	s2 =	sadd.s32 s2, s4;
	[dreg:$0x0] =	wrdreg $0x0  }
0xa8: {  	s4 =	sshll.u32 s28, $0x1;
	[dreg:$0x2] =	wrdreg s2  }
0xa9: {  	[dreg:$0x3] =	wrdreg s4  }
0xaa: {  	[dreg:$0x4] =	wrdreg $0xC0  }
0xab: {  	_ =	task [dreg:s6], $0x5FFFF  }
0xac: {  	[dreg:$0x1] =	wrdreg $0xFFFFFFFF  }
0xad: {  	[dreg:$0x0] =	wrdreg $0x60  }
0xae: {  	[dreg:$0x2] =	wrdreg s24  }
0xaf: {  	[dreg:$0x3] =	wrdreg $0x1A4800  }
0xb0: {  	[dreg:$0x4] =	wrdreg $0x9  }
0xb1: {  	_ =	task.clear_ibuf [dreg:s6], $0x5FFFF;
	_ =	strace $0x90000046  }
0xb2: {  	s29 =	simm.s32 $0x9;
	_ =	strace $0x80000048  }
0xb3: {  	_ =	swait.ge [sflag:s29], $0x1  }
0xb4: {  	[sflag:s29] =	ssyncadd.s32 $0xFFFFFFFF  }
0xb5: {  	_ =	strace $0x90000048  }
0xb6: {  	_ =	sfence  }
0xb7: {  	s30 =	sld [smem:$0x0];
	_ =	sdelay $0x2  }
0xb8: {  	s31 =	sshll.u32 s1, $0xD;
	s1 =	sshrl.u32 s1, $0x2  }
0xb9: {  	s3 =	sand.u32 $0x4000, s31;
	s1 =	sadd.s32 s1, s30  }
0xba: {  	s0 =	sor.u32 s3, s0;
	s1 =	sshll.u32 s1, $0x11  }
0xbb: {  	s0 =	sor.u32 s1, s0  }
0xbc: {  	s0 =	sadd.s32 $0x8F2B, s0  }
0xbd: {  	[sflag:s0] =	ssyncadd.remote.s32 $0x1  }
0xbe: {  	_ =	sfence.sel $0xFFFF  }
0xbf: {  	[dreg:$0x0] =	wrdreg $0xFFFFFFFF;
	(pc) =	sbr.abs _section_cstart, $3  }
0xc0: {  	[dreg:$0x1] =	wrdreg $0xFFFFFFFF  }
0xc1: {  	_ =	task.clear_ibuf [dreg:s6], $0x2FFFF;
	_ =	strace $0x9FFFFFFF  }
0xc2: {  	(tm) =	ssettm $0x7FFFFFFF  }
0xc3: {  	_ =	shalt  }
tec
execute0_lowered:
.L_overlay_start_1:
0x0: {  	(tag) =	ssettag $0x1  }
0x1: {  	s0 =	srdreg.scid;
	s1 =	rddreg [dreg:$0x0]  }
0x2: {  	s8 =	stileid.u32;
	s2 =	rddreg [dreg:$0x1]  }
0x3: {  	s19 =	simm.s32 $0x0;
	s23 =	simm.s32 $0x15;
	s11 =	simm.s32 $0x80  }
0x4: {  	s14 =	simm.s32 $0xB;
	s18 =	simm.s32 $0xC;
	s22 =	simm.s32 $0xD  }
0x5: {  	s26 =	simm.s32 $0xE;
	s12 =	simm.s32 $0x14;
	s29 =	simm.s32 $0xA400  }
0x6: {  	s24 =	simm.s32 $0xC400;
	s20 =	simm.s32 $0xE400;
	s31 =	simm.s32 $0x14400  }
0x7: {  	s28 =	simm.s32 $0x16400;
	s0 =	sand.u32 $0x1, s0;
	s3 =	sshll.u32 s8, $0x8  }
0x8: {  	[smem:$0x7FF] =	sst s19;
	s25 =	sshll.u32 s8, $0x7;
	s8 =	sshll.u32 s8, $0xD  }
0x9: {  	s4 =	sshll.u32 s0, $0x7;
	_ =	strace $0x80000047;
	s0 =	ssub.s32 $0x2, s0  }
0xa: {  	s30 =	sor.u32 $0x10, s25;
	s7 =	sor.u32 $0x20, s25;
	s9 =	sor.u32 $0x30, s25  }
0xb: {  	s10 =	sor.u32 $0x40, s25;
	s13 =	sor.u32 $0x50, s25;
	s15 =	sor.u32 $0x60, s25  }
0xc: {  	v7 =	vlaneseq.u32;
	s17 =	sor.u32 $0x70, s25;
	s8 =	sadd.s32 s8, s2;
	s3 =	sor.u32 s4, s3  }
0xd: {  	s6 =	sshrl.u32 s0, $0x1;
	[dreg:$0x4] =	wrdreg s8;
	v2 =	vor.u32 s7, v7;
	s7 =	simm.s32 $0x10  }
0xe: {  	v3 =	vor.u32 s9, v7;
	v5 =	vor.u32 s13, v7;
	s9 =	simm.s32 $0x9;
	s13 =	simm.s32 $0x13;
	s4 =	sshrl.u32 s3, $0x3  }
0xf: {  	s3 =	sshll.u32 s3, $0x3;
	s0 =	ssub.s32 s0, s6;
	s5 =	sadd.s32 s4, s1  }
0x10: {  	s4 =	sadd.s32 $0xF42C00, s1;
	s1 =	sadd.s32 s3, s1;
	s0 =	smax.u32 s0, $0x1  }
0x11: {  	s3 =	simm.s32 $0x12;
	s5 =	sadd.s32 $0x800, s5;
	[dreg:$0x7] =	wrdreg s0  }
0x12: {  	v8 =	vimm.f32 $0.0e+00;
	v0 =	vor.u32 s25, v7;
	v1 =	vor.u32 s30, v7;
	s1 =	sadd.s32 $0x19800, s1;
	s0 =	simm.s32 $0xF;
	[dreg:$0x5] =	wrdreg s5  }
0x13: {  	v4 =	vor.u32 s10, v7;
	v6 =	vor.u32 s15, v7;
	v7 =	vor.u32 s17, v7;
	[dreg:$0x6] =	wrdreg s1;
	s1 =	simm.s32 $0x1A400;
	s5 =	simm.s32 $0x11  }
.LBB2_1:
0x14: {  	[tilespmem:$0x1A400] =	vst v0  }
0x15: {  	[tilespmem:$0x1A410] =	vst v1  }
0x16: {  	[tilespmem:$0x1A420] =	vst v2  }
0x17: {  	[tilespmem:$0x1A430] =	vst v3  }
0x18: {  	[tilespmem:$0x1A440] =	vst v4  }
0x19: {  	[tilespmem:$0x1A450] =	vst v5  }
0x1a: {  	[tilespmem:$0x1A460] =	vst v6  }
0x1b: {  	[dreg:$0x3] =	wrdreg s19;
	[tilespmem:$0x1A470] =	vst v7;
	s19 =	simm.s32 $0x100;
	s17 =	simm.s32 $0x0  }
.LBB2_2:
0x1c: {  	p0 =	sne.s32 s19, $0x7F00;
	[tilespmem:s17+$0x6430] =	vst v8;
	s21 =	smov.u32 s19;
	s19 =	sadd.s32 $0x100, s19  }
.Ltmp0:
0x1d: {  	[tilespmem:s17+$0x6420] =	vst v8;
	(pc) =	sbr.rel @p0 .LBB2_2-.Ltmp0, $3  }
0x1e: {  	[tilespmem:s17+$0x6400] =	vst v8  }
0x1f: {  	[tilespmem:s17+$0x6410] =	vst v8;
	_ =	sdelay $0x1  }
0x20: {  	s17 =	sshra.s32 s21, $0x2  }
0x21: {  	[tilespmem:s17+$0x6430] =	vst v8  }
0x22: {  	[tilespmem:s17+$0x6420] =	vst v8  }
0x23: {  	[tilespmem:s17+$0x6400] =	vst v8  }
0x24: {  	[tilespmem:s17+$0x6410] =	vst v8;
	s25 =	rddreg [dreg:$0x4];
	s21 =	simm.s32 $0x6400  }
0x25: {  	[spmem:s25] =	stream.linear.scatter [tilespmem:s21], [sflag:$0x15], $0x2000, $0x38;
	[tilespmem:$0x1C480] =	vst v63  }
0x26: {  	_ =	swait.ge [sflag:s23], $0x2000  }
0x27: {  	s6 =	simm.s32 $0x0;
	[sflag:s23] =	ssyncset.done $0x0  }
0x28: {  	s30 =	simm.s32 $0x1000;
	s19 =	rddreg [dreg:$0x5];
	[sflag:s23] =	ssyncadd.s32 $0xFFFFE000  }
0x29: {  	[tilespmem:s6], [sflag:$0x15] =	stream.strided.gather [hbm4b:s19+s11], $0x6400, s30, s11, $0x38;
	[tilespmem:$0x1C480] =	vst v63  }
0x2a: {  	_ =	swait.ge [sflag:s23], $0x6400  }
0x2b: {  	[sflag:s23] =	ssyncset.done $0x0  }
0x2c: {  	[sflag:s23] =	ssyncadd.s32 $0xFFFF9C00  }
0x2d: {  	[tilespmem:s21], [sflag:$0x1] =	stream.indirect.gather [hbm4b:s4+s11], $0x40, s6, s11, $0xb8;
	[tilespmem:$0x1C480] =	vst v63  }
0x2e: {  	s19 =	simm.s32 $0x8400  }
0x2f: {  	[tilespmem:s19], [sflag:$0x2] =	stream.indirect.gather [hbm4b:s4+s11], $0x40, s11, s11, $0xb8;
	[tilespmem:$0x1C480] =	vst v63  }
0x30: {  	s16 =	simm.s32 $0xA400;
	s6 =	simm.s32 $0x100  }
0x31: {  	[tilespmem:s16], [sflag:$0x3] =	stream.indirect.gather [hbm4b:s4+s11], $0x40, s6, s11, $0xb8;
	[tilespmem:$0x1C480] =	vst v63  }
0x32: {  	s8 =	simm.s32 $0x180;
	s15 =	simm.s32 $0xC400  }
0x33: {  	[tilespmem:s15], [sflag:$0x4] =	stream.indirect.gather [hbm4b:s4+s11], $0x40, s8, s11, $0xb8;
	[tilespmem:$0x1C480] =	vst v63  }
0x34: {  	s10 =	simm.s32 $0x200;
	s6 =	simm.s32 $0xE400  }
0x35: {  	[tilespmem:s6], [sflag:$0x5] =	stream.indirect.gather [hbm4b:s4+s11], $0x40, s10, s11, $0xb8;
	[tilespmem:$0x1C480] =	vst v63  }
0x36: {  	s23 =	simm.s32 $0x280;
	s8 =	simm.s32 $0x10400  }
0x37: {  	[tilespmem:s8], [sflag:$0x6] =	stream.indirect.gather [hbm4b:s4+s11], $0x40, s23, s11, $0xb8;
	[tilespmem:$0x1C480] =	vst v63  }
0x38: {  	s25 =	simm.s32 $0x300;
	s10 =	simm.s32 $0x12400  }
0x39: {  	[tilespmem:s10], [sflag:$0x7] =	stream.indirect.gather [hbm4b:s4+s11], $0x40, s25, s11, $0xb8;
	[tilespmem:$0x1C480] =	vst v63  }
0x3a: {  	s30 =	simm.s32 $0x380;
	s25 =	simm.s32 $0x14400  }
0x3b: {  	[tilespmem:s25], [sflag:$0x8] =	stream.indirect.gather [hbm4b:s4+s11], $0x40, s30, s11, $0xb8;
	[tilespmem:$0x1C480] =	vst v63  }
0x3c: {  	s23 =	simm.s32 $0x400;
	s30 =	simm.s32 $0x16400  }
0x3d: {  	[tilespmem:s30], [sflag:$0x9] =	stream.indirect.gather [hbm4b:s4+s11], $0x40, s23, s11, $0xb8;
	[tilespmem:$0x1C480] =	vst v63  }
0x3e: {  	s17 =	simm.s32 $0x480;
	s23 =	simm.s32 $0x18400  }
0x3f: {  	[tilespmem:s23], [sflag:$0xA] =	stream.indirect.gather [hbm4b:s4+s11], $0x40, s17, s11, $0xb8;
	[tilespmem:$0x1C480] =	vst v63  }
0x40: {  	s17 =	simm.s32 $0x1  }
0x41: {  	_ =	swait.ge [sflag:s17], $0x2000  }
0x42: {  	[sflag:s17] =	ssyncset.done $0x0  }
0x43: {  	[sflag:s17] =	ssyncadd.s32 $0xFFFFE000  }
0x44: {  	[spmem:s2] =	stream.indirect.scatter.add.f32 [tilespmem:s21], [sflag:$0xB], $0x40, s1, s11, $0xb8;
	[tilespmem:$0x1C480] =	vst v63  }
0x45: {  	_ =	swait.ge [sflag:s14], $0x2000  }
0x46: {  	[sflag:s14] =	ssyncset.done $0x0  }
0x47: {  	s17 =	simm.s32 $0x2;
	[sflag:s14] =	ssyncadd.s32 $0xFFFFE000;
	s14 =	simm.s32 $0x500  }
0x48: {  	[tilespmem:s21], [sflag:$0x1] =	stream.indirect.gather [hbm4b:s4+s11], $0x40, s14, s11, $0xb8;
	[tilespmem:$0x1C480] =	vst v63  }
0x49: {  	_ =	swait.ge [sflag:s17], $0x2000  }
0x4a: {  	[sflag:s17] =	ssyncset.done $0x0  }
0x4b: {  	[sflag:s17] =	ssyncadd.s32 $0xFFFFE000  }
0x4c: {  	[spmem:s2] =	stream.indirect.scatter.add.f32 [tilespmem:s19], [sflag:$0xC], $0x40, s1, s11, $0xb8;
	[tilespmem:$0x1C480] =	vst v63  }
0x4d: {  	_ =	swait.ge [sflag:s18], $0x2000  }
0x4e: {  	[sflag:s18] =	ssyncset.done $0x0  }
0x4f: {  	s14 =	simm.s32 $0x580;
	[sflag:s18] =	ssyncadd.s32 $0xFFFFE000;
	s18 =	simm.s32 $0x3  }
0x50: {  	[tilespmem:s19], [sflag:$0x2] =	stream.indirect.gather [hbm4b:s4+s11], $0x40, s14, s11, $0xb8;
	[tilespmem:$0x1C480] =	vst v63  }
0x51: {  	_ =	swait.ge [sflag:s18], $0x2000  }
0x52: {  	[sflag:s18] =	ssyncset.done $0x0  }
0x53: {  	[sflag:s18] =	ssyncadd.s32 $0xFFFFE000  }
0x54: {  	[spmem:s2] =	stream.indirect.scatter.add.f32 [tilespmem:s16], [sflag:$0xD], $0x40, s1, s11, $0xb8;
	[tilespmem:$0x1C480] =	vst v63  }
0x55: {  	_ =	swait.ge [sflag:s22], $0x2000  }
0x56: {  	[sflag:s22] =	ssyncset.done $0x0  }
0x57: {  	s19 =	simm.s32 $0x600;
	[sflag:s22] =	ssyncadd.s32 $0xFFFFE000;
	s22 =	simm.s32 $0x4  }
0x58: {  	[tilespmem:s16], [sflag:$0x3] =	stream.indirect.gather [hbm4b:s4+s11], $0x40, s19, s11, $0xb8;
	[tilespmem:$0x1C480] =	vst v63  }
0x59: {  	_ =	swait.ge [sflag:s22], $0x2000  }
0x5a: {  	[sflag:s22] =	ssyncset.done $0x0  }
0x5b: {  	[sflag:s22] =	ssyncadd.s32 $0xFFFFE000  }
0x5c: {  	[spmem:s2] =	stream.indirect.scatter.add.f32 [tilespmem:s15], [sflag:$0xE], $0x40, s1, s11, $0xb8;
	[tilespmem:$0x1C480] =	vst v63  }
0x5d: {  	_ =	swait.ge [sflag:s26], $0x2000  }
0x5e: {  	[sflag:s26] =	ssyncset.done $0x0  }
0x5f: {  	s14 =	simm.s32 $0x680;
	[sflag:s26] =	ssyncadd.s32 $0xFFFFE000  }
0x60: {  	[tilespmem:s15], [sflag:$0x4] =	stream.indirect.gather [hbm4b:s4+s11], $0x40, s14, s11, $0xb8;
	[tilespmem:$0x1C480] =	vst v63  }
0x61: {  	s15 =	simm.s32 $0x5  }
0x62: {  	_ =	swait.ge [sflag:s15], $0x2000  }
0x63: {  	[sflag:s15] =	ssyncset.done $0x0  }
0x64: {  	[sflag:s15] =	ssyncadd.s32 $0xFFFFE000  }
0x65: {  	[spmem:s2] =	stream.indirect.scatter.add.f32 [tilespmem:s6], [sflag:$0xF], $0x40, s1, s11, $0xb8;
	[tilespmem:$0x1C480] =	vst v63  }
0x66: {  	_ =	swait.ge [sflag:s0], $0x2000  }
0x67: {  	[sflag:s0] =	ssyncset.done $0x0  }
0x68: {  	s16 =	simm.s32 $0x700;
	[sflag:s0] =	ssyncadd.s32 $0xFFFFE000  }
0x69: {  	[tilespmem:s6], [sflag:$0x5] =	stream.indirect.gather [hbm4b:s4+s11], $0x40, s16, s11, $0xb8;
	[tilespmem:$0x1C480] =	vst v63  }
0x6a: {  	s6 =	simm.s32 $0x6  }
0x6b: {  	_ =	swait.ge [sflag:s6], $0x2000  }
0x6c: {  	[sflag:s6] =	ssyncset.done $0x0  }
0x6d: {  	[sflag:s6] =	ssyncadd.s32 $0xFFFFE000  }
0x6e: {  	[spmem:s2] =	stream.indirect.scatter.add.f32 [tilespmem:s8], [sflag:$0x10], $0x40, s1, s11, $0xb8;
	[tilespmem:$0x1C480] =	vst v63  }
0x6f: {  	_ =	swait.ge [sflag:s7], $0x2000  }
0x70: {  	[sflag:s7] =	ssyncset.done $0x0  }
0x71: {  	s18 =	simm.s32 $0x780;
	[sflag:s7] =	ssyncadd.s32 $0xFFFFE000  }
0x72: {  	[tilespmem:s8], [sflag:$0x6] =	stream.indirect.gather [hbm4b:s4+s11], $0x40, s18, s11, $0xb8;
	[tilespmem:$0x1C480] =	vst v63  }
0x73: {  	s8 =	simm.s32 $0x7  }
0x74: {  	_ =	swait.ge [sflag:s8], $0x2000  }
0x75: {  	[sflag:s8] =	ssyncset.done $0x0  }
0x76: {  	[sflag:s8] =	ssyncadd.s32 $0xFFFFE000  }
0x77: {  	[spmem:s2] =	stream.indirect.scatter.add.f32 [tilespmem:s10], [sflag:$0x11], $0x40, s1, s11, $0xb8;
	[tilespmem:$0x1C480] =	vst v63  }
0x78: {  	_ =	swait.ge [sflag:s5], $0x2000  }
0x79: {  	[sflag:s5] =	ssyncset.done $0x0  }
0x7a: {  	s19 =	simm.s32 $0x800;
	[sflag:s5] =	ssyncadd.s32 $0xFFFFE000  }
0x7b: {  	[tilespmem:s10], [sflag:$0x7] =	stream.indirect.gather [hbm4b:s4+s11], $0x40, s19, s11, $0xb8;
	[tilespmem:$0x1C480] =	vst v63  }
0x7c: {  	s10 =	simm.s32 $0x8  }
0x7d: {  	_ =	swait.ge [sflag:s10], $0x2000  }
0x7e: {  	[sflag:s10] =	ssyncset.done $0x0  }
0x7f: {  	[sflag:s10] =	ssyncadd.s32 $0xFFFFE000  }
0x80: {  	[spmem:s2] =	stream.indirect.scatter.add.f32 [tilespmem:s25], [sflag:$0x12], $0x40, s1, s11, $0xb8;
	[tilespmem:$0x1C480] =	vst v63  }
0x81: {  	_ =	swait.ge [sflag:s3], $0x2000  }
0x82: {  	[sflag:s3] =	ssyncset.done $0x0  }
0x83: {  	s22 =	simm.s32 $0x880;
	[sflag:s3] =	ssyncadd.s32 $0xFFFFE000  }
0x84: {  	[tilespmem:s25], [sflag:$0x8] =	stream.indirect.gather [hbm4b:s4+s11], $0x40, s22, s11, $0xb8;
	[tilespmem:$0x1C480] =	vst v63  }
0x85: {  	_ =	swait.ge [sflag:s9], $0x2000  }
0x86: {  	[sflag:s9] =	ssyncset.done $0x0  }
0x87: {  	[sflag:s9] =	ssyncadd.s32 $0xFFFFE000  }
0x88: {  	[spmem:s2] =	stream.indirect.scatter.add.f32 [tilespmem:s30], [sflag:$0x13], $0x40, s1, s11, $0xb8;
	[tilespmem:$0x1C480] =	vst v63  }
0x89: {  	_ =	swait.ge [sflag:s13], $0x2000  }
0x8a: {  	[sflag:s13] =	ssyncset.done $0x0  }
0x8b: {  	s26 =	simm.s32 $0x900;
	[sflag:s13] =	ssyncadd.s32 $0xFFFFE000  }
0x8c: {  	[tilespmem:s30], [sflag:$0x9] =	stream.indirect.gather [hbm4b:s4+s11], $0x40, s26, s11, $0xb8;
	[tilespmem:$0x1C480] =	vst v63  }
0x8d: {  	s17 =	simm.s32 $0x1400;
	s30 =	simm.s32 $0xA  }
0x8e: {  	s14 =	simm.s32 $0xB;
	s0 =	simm.s32 $0xF;
	_ =	swait.ge [sflag:s30], $0x2000  }
0x8f: {  	s7 =	simm.s32 $0x10;
	s18 =	simm.s32 $0xC;
	[sflag:s30] =	ssyncset.done $0x0  }
0x90: {  	s5 =	simm.s32 $0x11;
	s19 =	simm.s32 $0x980;
	[sflag:s30] =	ssyncadd.s32 $0xFFFFE000  }
0x91: {  	[spmem:s2] =	stream.indirect.scatter.add.f32 [tilespmem:s23], [sflag:$0x14], $0x40, s1, s11, $0xb8;
	[tilespmem:$0x1C480] =	vst v63  }
0x92: {  	s3 =	simm.s32 $0x12;
	s22 =	simm.s32 $0xD;
	_ =	swait.ge [sflag:s12], $0x2000  }
0x93: {  	s9 =	simm.s32 $0x9;
	s13 =	simm.s32 $0x13;
	[sflag:s12] =	ssyncset.done $0x0  }
0x94: {  	s26 =	simm.s32 $0xE;
	[sflag:s12] =	ssyncadd.s32 $0xFFFFE000;
	s12 =	simm.s32 $0x14  }
.LBB2_4:
0x95: {  	s30 =	simm.s32 $0x18400  }
0x96: {  	[tilespmem:s30], [sflag:$0xA] =	stream.indirect.gather [hbm4b:s4+s11], $0x40, s19, s11, $0xb8;
	[tilespmem:$0x1C480] =	vst v63  }
0x97: {  	s15 =	simm.s32 $0x1;
	s19 =	smov.u32 s17  }
0x98: {  	p0 =	sne.s32 s17, $0x16800;
	s17 =	sadd.s32 $0x1400, s17;
	_ =	swait.ge [sflag:s15], $0x2000  }
0x99: {  	[sflag:s15] =	ssyncset.done $0x0  }
0x9a: {  	[sflag:s15] =	ssyncadd.s32 $0xFFFFE000  }
0x9b: {  	[spmem:s2] =	stream.indirect.scatter.add.f32 [tilespmem:s21], [sflag:$0xB], $0x40, s1, s11, $0xb8;
	[tilespmem:$0x1C480] =	vst v63  }
0x9c: {  	_ =	swait.ge [sflag:s14], $0x2000  }
0x9d: {  	s19 =	sshra.s32 s19, $0x2;
	[sflag:s14] =	ssyncset.done $0x0  }
0x9e: {  	s23 =	simm.s32 $0x6400;
	s21 =	sadd.s32 $0x500, s19;
	[sflag:s14] =	ssyncadd.s32 $0xFFFFE000  }
0x9f: {  	[tilespmem:s23], [sflag:$0x1] =	stream.indirect.gather [hbm4b:s4+s11], $0x40, s21, s11, $0xb8;
	[tilespmem:$0x1C480] =	vst v63  }
0xa0: {  	s15 =	simm.s32 $0x2;
	s23 =	simm.s32 $0x8400  }
0xa1: {  	_ =	swait.ge [sflag:s15], $0x2000  }
0xa2: {  	[sflag:s15] =	ssyncset.done $0x0  }
0xa3: {  	[sflag:s15] =	ssyncadd.s32 $0xFFFFE000  }
0xa4: {  	[spmem:s2] =	stream.indirect.scatter.add.f32 [tilespmem:s23], [sflag:$0xC], $0x40, s1, s11, $0xb8;
	[tilespmem:$0x1C480] =	vst v63  }
0xa5: {  	_ =	swait.ge [sflag:s18], $0x2000  }
0xa6: {  	[sflag:s18] =	ssyncset.done $0x0  }
0xa7: {  	s21 =	sadd.s32 $0x580, s19;
	s15 =	simm.s32 $0x3;
	[sflag:s18] =	ssyncadd.s32 $0xFFFFE000  }
0xa8: {  	[tilespmem:s23], [sflag:$0x2] =	stream.indirect.gather [hbm4b:s4+s11], $0x40, s21, s11, $0xb8;
	[tilespmem:$0x1C480] =	vst v63  }
0xa9: {  	_ =	swait.ge [sflag:s15], $0x2000  }
0xaa: {  	[sflag:s15] =	ssyncset.done $0x0  }
0xab: {  	[sflag:s15] =	ssyncadd.s32 $0xFFFFE000;
	s15 =	simm.s32 $0xA400  }
0xac: {  	[spmem:s2] =	stream.indirect.scatter.add.f32 [tilespmem:s15], [sflag:$0xD], $0x40, s1, s11, $0xb8;
	[tilespmem:$0x1C480] =	vst v63  }
0xad: {  	_ =	swait.ge [sflag:s22], $0x2000  }
0xae: {  	[sflag:s22] =	ssyncset.done $0x0  }
0xaf: {  	s21 =	sadd.s32 $0x600, s19;
	[sflag:s22] =	ssyncadd.s32 $0xFFFFE000  }
0xb0: {  	[tilespmem:s15], [sflag:$0x3] =	stream.indirect.gather [hbm4b:s4+s11], $0x40, s21, s11, $0xb8;
	[tilespmem:$0x1C480] =	vst v63  }
0xb1: {  	s15 =	simm.s32 $0x4  }
0xb2: {  	_ =	swait.ge [sflag:s15], $0x2000  }
0xb3: {  	[sflag:s15] =	ssyncset.done $0x0  }
0xb4: {  	[sflag:s15] =	ssyncadd.s32 $0xFFFFE000;
	s15 =	simm.s32 $0xC400  }
0xb5: {  	[spmem:s2] =	stream.indirect.scatter.add.f32 [tilespmem:s15], [sflag:$0xE], $0x40, s1, s11, $0xb8;
	[tilespmem:$0x1C480] =	vst v63  }
0xb6: {  	_ =	swait.ge [sflag:s26], $0x2000  }
0xb7: {  	[sflag:s26] =	ssyncset.done $0x0  }
0xb8: {  	s21 =	sadd.s32 $0x680, s19;
	[sflag:s26] =	ssyncadd.s32 $0xFFFFE000  }
0xb9: {  	[tilespmem:s15], [sflag:$0x4] =	stream.indirect.gather [hbm4b:s4+s11], $0x40, s21, s11, $0xb8;
	[tilespmem:$0x1C480] =	vst v63  }
0xba: {  	s15 =	simm.s32 $0x5  }
0xbb: {  	_ =	swait.ge [sflag:s15], $0x2000  }
0xbc: {  	[sflag:s15] =	ssyncset.done $0x0  }
0xbd: {  	[sflag:s15] =	ssyncadd.s32 $0xFFFFE000;
	s15 =	simm.s32 $0xE400  }
0xbe: {  	[spmem:s2] =	stream.indirect.scatter.add.f32 [tilespmem:s15], [sflag:$0xF], $0x40, s1, s11, $0xb8;
	[tilespmem:$0x1C480] =	vst v63  }
0xbf: {  	_ =	swait.ge [sflag:s0], $0x2000  }
0xc0: {  	[sflag:s0] =	ssyncset.done $0x0  }
0xc1: {  	s21 =	sadd.s32 $0x700, s19;
	[sflag:s0] =	ssyncadd.s32 $0xFFFFE000  }
0xc2: {  	[tilespmem:s15], [sflag:$0x5] =	stream.indirect.gather [hbm4b:s4+s11], $0x40, s21, s11, $0xb8;
	[tilespmem:$0x1C480] =	vst v63  }
0xc3: {  	_ =	swait.ge [sflag:s6], $0x2000  }
0xc4: {  	[sflag:s6] =	ssyncset.done $0x0  }
0xc5: {  	s15 =	simm.s32 $0x10400;
	[sflag:s6] =	ssyncadd.s32 $0xFFFFE000  }
0xc6: {  	[spmem:s2] =	stream.indirect.scatter.add.f32 [tilespmem:s15], [sflag:$0x10], $0x40, s1, s11, $0xb8;
	[tilespmem:$0x1C480] =	vst v63  }
0xc7: {  	_ =	swait.ge [sflag:s7], $0x2000  }
0xc8: {  	[sflag:s7] =	ssyncset.done $0x0  }
0xc9: {  	s16 =	simm.s32 $0x10400;
	s21 =	sadd.s32 $0x780, s19;
	[sflag:s7] =	ssyncadd.s32 $0xFFFFE000  }
0xca: {  	[tilespmem:s15], [sflag:$0x6] =	stream.indirect.gather [hbm4b:s4+s11], $0x40, s21, s11, $0xb8;
	[tilespmem:$0x1C480] =	vst v63  }
0xcb: {  	_ =	swait.ge [sflag:s8], $0x2000  }
0xcc: {  	[sflag:s8] =	ssyncset.done $0x0  }
0xcd: {  	s25 =	simm.s32 $0x12400;
	[sflag:s8] =	ssyncadd.s32 $0xFFFFE000  }
0xce: {  	[spmem:s2] =	stream.indirect.scatter.add.f32 [tilespmem:s25], [sflag:$0x11], $0x40, s1, s11, $0xb8;
	[tilespmem:$0x1C480] =	vst v63  }
0xcf: {  	_ =	swait.ge [sflag:s5], $0x2000  }
0xd0: {  	[sflag:s5] =	ssyncset.done $0x0  }
0xd1: {  	s21 =	sadd.s32 $0x800, s19;
	s15 =	simm.s32 $0x12400;
	[sflag:s5] =	ssyncadd.s32 $0xFFFFE000  }
0xd2: {  	[tilespmem:s25], [sflag:$0x7] =	stream.indirect.gather [hbm4b:s4+s11], $0x40, s21, s11, $0xb8;
	[tilespmem:$0x1C480] =	vst v63  }
0xd3: {  	_ =	swait.ge [sflag:s10], $0x2000  }
0xd4: {  	[sflag:s10] =	ssyncset.done $0x0  }
0xd5: {  	s25 =	simm.s32 $0x14400;
	[sflag:s10] =	ssyncadd.s32 $0xFFFFE000  }
0xd6: {  	[spmem:s2] =	stream.indirect.scatter.add.f32 [tilespmem:s25], [sflag:$0x12], $0x40, s1, s11, $0xb8;
	[tilespmem:$0x1C480] =	vst v63  }
0xd7: {  	_ =	swait.ge [sflag:s3], $0x2000  }
0xd8: {  	[sflag:s3] =	ssyncset.done $0x0  }
0xd9: {  	s21 =	sadd.s32 $0x880, s19;
	[sflag:s3] =	ssyncadd.s32 $0xFFFFE000  }
0xda: {  	[tilespmem:s25], [sflag:$0x8] =	stream.indirect.gather [hbm4b:s4+s11], $0x40, s21, s11, $0xb8;
	[tilespmem:$0x1C480] =	vst v63  }
0xdb: {  	_ =	swait.ge [sflag:s9], $0x2000  }
0xdc: {  	[sflag:s9] =	ssyncset.done $0x0  }
0xdd: {  	s25 =	simm.s32 $0x16400;
	[sflag:s9] =	ssyncadd.s32 $0xFFFFE000  }
0xde: {  	[spmem:s2] =	stream.indirect.scatter.add.f32 [tilespmem:s25], [sflag:$0x13], $0x40, s1, s11, $0xb8;
	[tilespmem:$0x1C480] =	vst v63  }
0xdf: {  	_ =	swait.ge [sflag:s13], $0x2000  }
0xe0: {  	[sflag:s13] =	ssyncset.done $0x0  }
0xe1: {  	s21 =	sadd.s32 $0x900, s19;
	[sflag:s13] =	ssyncadd.s32 $0xFFFFE000  }
0xe2: {  	[tilespmem:s25], [sflag:$0x9] =	stream.indirect.gather [hbm4b:s4+s11], $0x40, s21, s11, $0xb8;
	[tilespmem:$0x1C480] =	vst v63  }
0xe3: {  	s25 =	simm.s32 $0xA;
	s21 =	simm.s32 $0x6400  }
0xe4: {  	_ =	swait.ge [sflag:s25], $0x2000  }
0xe5: {  	[sflag:s25] =	ssyncset.done $0x0  }
.Ltmp1:
0xe6: {  	[sflag:s25] =	ssyncadd.s32 $0xFFFFE000;
	(pc) =	sbr.rel @p0 .LBB2_4-.Ltmp1, $4  }
0xe7: {  	[spmem:s2] =	stream.indirect.scatter.add.f32 [tilespmem:s30], [sflag:$0x14], $0x40, s1, s11, $0xb8;
	[tilespmem:$0x1C480] =	vst v63  }
0xe8: {  	_ =	swait.ge [sflag:s12], $0x2000  }
0xe9: {  	[sflag:s12] =	ssyncset.done $0x0  }
0xea: {  	s19 =	sadd.s32 $0x980, s19;
	[sflag:s12] =	ssyncadd.s32 $0xFFFFE000  }
0xeb: {  	s17 =	simm.s32 $0x18400;
	s30 =	simm.s32 $0x1  }
0xec: {  	[tilespmem:s17], [sflag:$0xA] =	stream.indirect.gather [hbm4b:s4+s11], $0x40, s19, s11, $0xb8;
	[tilespmem:$0x1C480] =	vst v63  }
0xed: {  	_ =	swait.ge [sflag:s30], $0x2000  }
0xee: {  	[sflag:s30] =	ssyncset.done $0x0  }
0xef: {  	[sflag:s30] =	ssyncadd.s32 $0xFFFFE000  }
0xf0: {  	[spmem:s2] =	stream.indirect.scatter.add.f32 [tilespmem:s21], [sflag:$0xB], $0x40, s1, s11, $0xb8;
	[tilespmem:$0x1C480] =	vst v63  }
0xf1: {  	s21 =	simm.s32 $0x2  }
0xf2: {  	_ =	swait.ge [sflag:s21], $0x2000  }
0xf3: {  	[sflag:s21] =	ssyncset.done $0x0  }
0xf4: {  	[sflag:s21] =	ssyncadd.s32 $0xFFFFE000  }
0xf5: {  	[spmem:s2] =	stream.indirect.scatter.add.f32 [tilespmem:s23], [sflag:$0xC], $0x40, s1, s11, $0xb8;
	[tilespmem:$0x1C480] =	vst v63  }
0xf6: {  	s23 =	simm.s32 $0x3  }
0xf7: {  	_ =	swait.ge [sflag:s23], $0x2000  }
0xf8: {  	[sflag:s23] =	ssyncset.done $0x0  }
0xf9: {  	s30 =	simm.s32 $0x4;
	[sflag:s23] =	ssyncadd.s32 $0xFFFFE000  }
0xfa: {  	[spmem:s2] =	stream.indirect.scatter.add.f32 [tilespmem:s29], [sflag:$0xD], $0x40, s1, s11, $0xb8;
	[tilespmem:$0x1C480] =	vst v63  }
0xfb: {  	_ =	swait.ge [sflag:s30], $0x2000  }
0xfc: {  	[sflag:s30] =	ssyncset.done $0x0  }
0xfd: {  	s21 =	simm.s32 $0x5;
	[sflag:s30] =	ssyncadd.s32 $0xFFFFE000  }
0xfe: {  	[spmem:s2] =	stream.indirect.scatter.add.f32 [tilespmem:s24], [sflag:$0xE], $0x40, s1, s11, $0xb8;
	[tilespmem:$0x1C480] =	vst v63  }
0xff: {  	_ =	swait.ge [sflag:s21], $0x2000  }
0x100: {  	[sflag:s21] =	ssyncset.done $0x0  }
0x101: {  	[sflag:s21] =	ssyncadd.s32 $0xFFFFE000  }
0x102: {  	[spmem:s2] =	stream.indirect.scatter.add.f32 [tilespmem:s20], [sflag:$0xF], $0x40, s1, s11, $0xb8;
	[tilespmem:$0x1C480] =	vst v63  }
0x103: {  	_ =	swait.ge [sflag:s6], $0x2000  }
0x104: {  	[sflag:s6] =	ssyncset.done $0x0  }
0x105: {  	[sflag:s6] =	ssyncadd.s32 $0xFFFFE000  }
0x106: {  	[spmem:s2] =	stream.indirect.scatter.add.f32 [tilespmem:s16], [sflag:$0x10], $0x40, s1, s11, $0xb8;
	[tilespmem:$0x1C480] =	vst v63  }
0x107: {  	_ =	swait.ge [sflag:s8], $0x2000  }
0x108: {  	[sflag:s8] =	ssyncset.done $0x0  }
0x109: {  	[sflag:s8] =	ssyncadd.s32 $0xFFFFE000  }
0x10a: {  	[spmem:s2] =	stream.indirect.scatter.add.f32 [tilespmem:s15], [sflag:$0x11], $0x40, s1, s11, $0xb8;
	[tilespmem:$0x1C480] =	vst v63  }
0x10b: {  	_ =	swait.ge [sflag:s10], $0x2000  }
0x10c: {  	[sflag:s10] =	ssyncset.done $0x0  }
0x10d: {  	[sflag:s10] =	ssyncadd.s32 $0xFFFFE000  }
0x10e: {  	[spmem:s2] =	stream.indirect.scatter.add.f32 [tilespmem:s31], [sflag:$0x12], $0x40, s1, s11, $0xb8;
	[tilespmem:$0x1C480] =	vst v63  }
0x10f: {  	_ =	swait.ge [sflag:s9], $0x2000  }
0x110: {  	[sflag:s9] =	ssyncset.done $0x0  }
0x111: {  	[sflag:s9] =	ssyncadd.s32 $0xFFFFE000  }
0x112: {  	[spmem:s2] =	stream.indirect.scatter.add.f32 [tilespmem:s28], [sflag:$0x13], $0x40, s1, s11, $0xb8;
	[tilespmem:$0x1C480] =	vst v63  }
0x113: {  	_ =	swait.ge [sflag:s25], $0x2000  }
0x114: {  	[sflag:s25] =	ssyncset.done $0x0  }
0x115: {  	[sflag:s25] =	ssyncadd.s32 $0xFFFFE000  }
0x116: {  	[spmem:s2] =	stream.indirect.scatter.add.f32 [tilespmem:s17], [sflag:$0x14], $0x40, s1, s11, $0xb8;
	[tilespmem:$0x1C480] =	vst v63  }
0x117: {  	_ =	swait.ge [sflag:s14], $0x2000  }
0x118: {  	[sflag:s14] =	ssyncset.done $0x0  }
0x119: {  	[sflag:s14] =	ssyncadd.s32 $0xFFFFE000  }
0x11a: {  	_ =	swait.ge [sflag:s18], $0x2000  }
0x11b: {  	[sflag:s18] =	ssyncset.done $0x0  }
0x11c: {  	[sflag:s18] =	ssyncadd.s32 $0xFFFFE000  }
0x11d: {  	_ =	swait.ge [sflag:s22], $0x2000  }
0x11e: {  	[sflag:s22] =	ssyncset.done $0x0  }
0x11f: {  	[sflag:s22] =	ssyncadd.s32 $0xFFFFE000  }
0x120: {  	_ =	swait.ge [sflag:s26], $0x2000  }
0x121: {  	[sflag:s26] =	ssyncset.done $0x0  }
0x122: {  	[sflag:s26] =	ssyncadd.s32 $0xFFFFE000  }
0x123: {  	_ =	swait.ge [sflag:s0], $0x2000  }
0x124: {  	[sflag:s0] =	ssyncset.done $0x0  }
0x125: {  	[sflag:s0] =	ssyncadd.s32 $0xFFFFE000  }
0x126: {  	_ =	swait.ge [sflag:s7], $0x2000  }
0x127: {  	[sflag:s7] =	ssyncset.done $0x0  }
0x128: {  	[sflag:s7] =	ssyncadd.s32 $0xFFFFE000  }
0x129: {  	_ =	swait.ge [sflag:s5], $0x2000  }
0x12a: {  	[sflag:s5] =	ssyncset.done $0x0  }
0x12b: {  	[sflag:s5] =	ssyncadd.s32 $0xFFFFE000  }
0x12c: {  	_ =	swait.ge [sflag:s3], $0x2000  }
0x12d: {  	[sflag:s3] =	ssyncset.done $0x0  }
0x12e: {  	[sflag:s3] =	ssyncadd.s32 $0xFFFFE000  }
0x12f: {  	_ =	swait.ge [sflag:s13], $0x2000  }
0x130: {  	[sflag:s13] =	ssyncset.done $0x0  }
0x131: {  	[sflag:s13] =	ssyncadd.s32 $0xFFFFE000  }
0x132: {  	s22 =	stileid.u32;
	_ =	swait.ge [sflag:s12], $0x2000  }
0x133: {  	s17 =	sshll.u32 s22, $0x6;
	s23 =	rddreg [dreg:$0x4]  }
0x134: {  	s17 =	sor.u32 $0x1C15, s17;
	[sflag:s12] =	ssyncset.done $0x0;
	s25 =	rddreg [dreg:$0x6]  }
0x135: {  	[sflag:s12] =	ssyncadd.s32 $0xFFFFE000;
	s19 =	sshrl.u32 s23, $0x3;
	s23 =	simm.s32 $0x15  }
0x136: {  	[hbm:s25], [sflag:s17] =	dma.local [spmem:s19], $0x400  }
0x137: {  	_ =	swait.ge [sflag:s23], $0x400  }
0x138: {  	s26 =	rddreg [dreg:$0x3]  }
0x139: {  	s30 =	rddreg [dreg:$0x7];
	s19 =	sadd.s32 $0x1, s26  }
0x13a: {  	p0 =	sne.s32 s19, s30  }
.Ltmp2:
0x13b: {  	s9 =	simm.s32 $0x9;
	(pc) =	sbr.rel @p0 .LBB2_1-.Ltmp2, $4  }
0x13c: {  	s14 =	simm.s32 $0xB;
	s18 =	simm.s32 $0xC;
	s22 =	simm.s32 $0xD  }
0x13d: {  	s0 =	simm.s32 $0xF;
	s7 =	simm.s32 $0x10;
	s5 =	simm.s32 $0x11  }
0x13e: {  	s3 =	simm.s32 $0x12;
	s13 =	simm.s32 $0x13;
	[sflag:s23] =	ssyncset.done $0x0  }
0x13f: {  	s12 =	simm.s32 $0x14;
	[sflag:s23] =	ssyncadd.s32 $0xFFFFFC00;
	s26 =	simm.s32 $0xE  }
0x140: {  	_ =	sfence.sel $0x180000  }
0x141: {  	[bflag:$0x0] =	sbarrier.arrive $0xFFFF  }
0x142: {  	_ =	strace $0x90000047  }
0x143: {  	s0 =	stileid.u32;
	[bflag:$0x2] =	sbarrier.arrive $0xFFFF  }
0x144: {  	p0 =	sne.s32 s0, $0x0;
	s0 =	rddreg [dreg:$0x2]  }
0x145: {  	s0 =	sadd.s32 @!p0 $0x100000, s0  }
0x146: {  	[sflag:s0] =	ssyncadd.tile.s32 @!p0 $0x1;
	_ =	shalt  }
.Lfunc_end2:
_tile_overlayer_lowered:
.L_overlay_start_2:
0x147: {  	(tag) =	ssettag $0x2  }
0x148: {  	s0 =	rddreg [dreg:$0x0];
	s2 =	stileid.u32  }
0x149: {  	s1 =	rddreg [dreg:$0x1];
	p0 =	sne.s32 s2, $0x0  }
0x14a: {  	s3 =	rddreg [dreg:$0x2];
	[bflag:$0x3] =	sbarrier.arrive $0xFFFF;
	s2 =	simm.s32 @!p0 $0x1C15  }
0x14b: {  	[timem:s3], [sflag:s2] =	dma.local @!p0 [hbm:s0], s1  }
0x14c: {  	s0 =	simm.s32 @!p0 $0x15  }
0x14d: {  	_ =	swait.ge @!p0 [sflag:s0], s1  }
0x14e: {  	s1 =	ssub.s32 @!p0 $0x0, s1;
	[sflag:s0] =	ssyncset.done @!p0 $0x0  }
0x14f: {  	[sflag:s0] =	ssyncadd.s32 @!p0 s1  }
0x150: {  	[bflag:$0x3] =	sbarrier.arrive $0xFFFF  }
0x151: {  	_ =	shalt  }

</sc_bundles>
